<compile_context>
chip_gen: v7x
topology: tpu7x:2x2x1
jax: 0.10.2.dev20260603
libtpu: 0.0.44.dev20260713+nightly
codegen_flags: <defaults>
</compile_context>

<pallas_src>
import jax
import jax.numpy as jnp
from jax import lax
from jax.experimental import pallas as pl
from jax.experimental.pallas import tpu as pltpu
from jax.experimental.pallas import tpu_sc as plsc

NG = 2
NE = 8
D = 64
B = 16384
NBINS = NG * NE

NC = 2
NS = 16
L = 16
NW = NC * NS
BPW = B // NW
VPW = BPW // L
CHUNK = 128
NCHUNK = BPW // CHUNK


def _body(g_hbm, e_hbm, wg_hbm, we_hbm,
          emb_hbm, inter_hbm, counts_hbm,
          g_v, e_v, inter_v, idx_v, rows_v,
          wg_v, we_v, comb_v,
          cnt_v, acc_v, cntall_v, tot_v,
          cnt_shared, comb_sh, sem, sem2, sem3):
  cid = lax.axis_index("c")
  sid = lax.axis_index("s")
  wid = sid * NC + cid
  base = wid * BPW

  lane = lax.iota(jnp.int32, L)
  ones = jnp.full((L,), 1, jnp.int32)

  wg_copy = pltpu.async_copy(wg_hbm, wg_v, sem3)
  we_copy = pltpu.async_copy(we_hbm, we_v, sem3)

  @pl.when(cid == 0)
  def _():
    c1 = pltpu.async_copy(g_hbm.at[pl.ds(base, 2 * BPW)], g_v, sem)
    c2 = pltpu.async_copy(e_hbm.at[pl.ds(base, 2 * BPW)], e_v, sem)
    c1.wait()
    c2.wait()

  @pl.when(cid != 0)
  def _():
    c1 = pltpu.async_copy(g_hbm.at[pl.ds(base, BPW)], g_v.at[pl.ds(0, BPW)],
                          sem)
    c2 = pltpu.async_copy(e_hbm.at[pl.ds(base, BPW)], e_v.at[pl.ds(0, BPW)],
                          sem)
    c1.wait()
    c2.wait()

  @pl.when(sid == 0)
  def _():
    wg_copy.wait()
    we_copy.wait()

    def build_body(i, _):
      for k in range(D // L):
        comb_v[i, pl.ds(k * L, L)] = wg_v[i // NE, pl.ds(k * L, L)]
        comb_v[i, pl.ds(D + k * L, L)] = we_v[i % NE, pl.ds(k * L, L)]
      return 0

    lax.fori_loop(0, NBINS, build_body, 0)
    pltpu.sync_copy(comb_v, comb_sh)

  @pl.when(sid != 0)
  def _():
    wg_copy.wait()
    we_copy.wait()

  def inter_body(j, _):
    g = g_v[pl.ds(j * L, L)]
    e = e_v[pl.ds(j * L, L)]
    it = g * NE + e
    inter_v[pl.ds(j * L, L)] = it
    idx_v[pl.ds(j * L, L)] = it
    return 0

  lax.fori_loop(0, VPW, inter_body, 0)
  inter_copy = pltpu.async_copy(inter_v, inter_hbm.at[pl.ds(base, BPW)], sem2)

  plsc.subcore_barrier()

  gathers = [
      pltpu.async_copy(comb_sh.at[idx_v.at[pl.ds(t * CHUNK, CHUNK)]],
                       rows_v.at[pl.ds(t * CHUNK, CHUNK)], sem)
      for t in range(NCHUNK)
  ]
  writes = []
  for t in range(NCHUNK):
    gathers[t].wait()
    writes.append(
        pltpu.async_copy(rows_v.at[pl.ds(t * CHUNK, CHUNK)],
                         emb_hbm.at[pl.ds(base + t * CHUNK, CHUNK)], sem2))

  @pl.when(cid == 0)
  def _():
    zeros = jnp.zeros((L,), jnp.int32)

    def zero_body(r, _):
      cnt_v[pl.ds(r * L, L)] = zeros
      return 0

    lax.fori_loop(0, L, zero_body, 0)
    lane_base = lane * NBINS

    def cnt_body(j, _):
      g = g_v[pl.ds(j * L, L)]
      e = e_v[pl.ds(j * L, L)]
      plsc.addupdate_scatter(cnt_v, [lane_base + g * NE + e], ones)
      return 0

    lax.fori_loop(0, 2 * VPW, cnt_body, 0)
    acc = lax.fori_loop(
        0, L, lambda r, a: a + cnt_v[pl.ds(r * L, L)],
        jnp.zeros((L,), jnp.int32))
    acc_v[pl.ds(0, L)] = acc
    pltpu.sync_copy(acc_v, cnt_shared.at[pl.ds(sid * L, L)])

  plsc.subcore_barrier()

  @pl.when((cid == 0) & (sid == 0))
  def _():
    pltpu.sync_copy(cnt_shared, cntall_v)
    tot = lax.fori_loop(
        0, NS, lambda r, a: a + cntall_v[pl.ds(r * L, L)],
        jnp.zeros((L,), jnp.int32))
    tot_v[pl.ds(0, L)] = tot
    pltpu.sync_copy(tot_v, counts_hbm)

  for w in writes:
    w.wait()
  inter_copy.wait()


@jax.jit
def _run(gender_idx, ethnicity_idx, W_gender, W_ethnicity):
  mesh = plsc.VectorSubcoreMesh(core_axis_name="c", subcore_axis_name="s")
  emb, inter, counts = pl.kernel(
      _body,
      out_type=[
          jax.ShapeDtypeStruct((B, NG * D), jnp.float32),
          jax.ShapeDtypeStruct((B,), jnp.int32),
          jax.ShapeDtypeStruct((NBINS,), jnp.int32),
      ],
      mesh=mesh,
      compiler_params=pltpu.CompilerParams(needs_layout_passes=False),
      scratch_types=[
          pltpu.VMEM((2 * BPW,), jnp.int32),
          pltpu.VMEM((2 * BPW,), jnp.int32),
          pltpu.VMEM((BPW,), jnp.int32),
          pltpu.VMEM((BPW,), jnp.int32),
          pltpu.VMEM((BPW, NG * D), jnp.float32),
          pltpu.VMEM((NG, D), jnp.float32),
          pltpu.VMEM((NE, D), jnp.float32),
          pltpu.VMEM((NBINS, NG * D), jnp.float32),
          pltpu.VMEM((L * NBINS,), jnp.int32),
          pltpu.VMEM((L,), jnp.int32),
          pltpu.VMEM((NS * L,), jnp.int32),
          pltpu.VMEM((L,), jnp.int32),
          pltpu.VMEM_SHARED((NS * L,), jnp.int32),
          pltpu.VMEM_SHARED((NBINS, NG * D), jnp.float32),
          pltpu.SemaphoreType.DMA,
          pltpu.SemaphoreType.DMA,
          pltpu.SemaphoreType.DMA,
      ],
  )(gender_idx, ethnicity_idx, W_gender, W_ethnicity)
  return emb, inter, counts


def kernel(gender_idx, ethnicity_idx, W_gender, W_ethnicity):
  return _run(gender_idx.astype(jnp.int32), ethnicity_idx.astype(jnp.int32),
              W_gender, W_ethnicity)

# --- scband reference (transcript-rebuilt; emitter-appended) ---
"""Pipeline reference for scband-multi-sensitive-attribute-handler-23167053595043 (READ-ONLY COPY).

The authoritative reference and input builder live on the scoring server;
editing this copy changes nothing except your own understanding.
"""

import jax, jax.numpy as jnp
import numpy as np

NUM_GENDER = 2
NUM_ETH = 8
EMB_DIM = 64
BATCH = 16384


def setup_inputs(seed: int = 0) -> dict:
    key = jax.random.key(seed)
    k1, k2, k3, k4 = jax.random.split(key, 4)
    gender_idx = jax.random.randint(k1, (BATCH,), 0, NUM_GENDER, dtype=jnp.int64 if jax.config.jax_enable_x64 else jnp.int32)
    ethnicity_idx = jax.random.randint(k2, (BATCH,), 0, NUM_ETH, dtype=jnp.int64 if jax.config.jax_enable_x64 else jnp.int32)
    W_gender = jax.random.normal(k3, (NUM_GENDER, EMB_DIM), dtype=jnp.float32)
    W_ethnicity = jax.random.normal(k4, (NUM_ETH, EMB_DIM), dtype=jnp.float32)
    return {
        "gender_idx": gender_idx,
        "ethnicity_idx": ethnicity_idx,
        "W_gender": W_gender,
        "W_ethnicity": W_ethnicity,
    }


def reference(gender_idx, ethnicity_idx, W_gender, W_ethnicity):
    # Per-attribute embedding lookup (nn.Embedding(indices))
    emb_g = jnp.take(W_gender, gender_idx, axis=0)
    emb_e = jnp.take(W_ethnicity, ethnicity_idx, axis=0)
    # Joint encoding: concatenated per-attribute embeddings
    joint_emb = jnp.concatenate([emb_g, emb_e], axis=-1)
    # Intersectional group id: mixed-radix over attribute label indices
    intersectional = gender_idx * NUM_ETH + ethnicity_idx
    # Intersectional group counts (multi-attribute statistics)
    counts = jnp.bincount(intersectional, length=NUM_GENDER * NUM_ETH)
    return joint_emb, intersectional, counts

if __name__ == "__main__":
    import jax
    _d = setup_inputs()
    print(jax.jit(kernel)(*tuple(_d.values())))

</pallas_src>

<mosaic_0001>
#map = affine_map<(d0, d1) -> (0)>
#map1 = affine_map<(d0, d1) -> (0, 0)>
module attributes {stable_mosaic.version = 14 : i64} {
  func.func @_body(%arg0: i32, %arg1: i32, %arg2: memref<16384xi32, #tpu.memory_space<hbm>>, %arg3: memref<16384xi32, #tpu.memory_space<hbm>>, %arg4: memref<2x64xf32, #tpu.memory_space<hbm>>, %arg5: memref<8x64xf32, #tpu.memory_space<hbm>>, %arg6: memref<16384x128xf32, #tpu.memory_space<hbm>>, %arg7: memref<16384xi32, #tpu.memory_space<hbm>>, %arg8: memref<16xi32, #tpu.memory_space<hbm>>, %arg9: memref<1024xi32, #tpu.memory_space<vmem>>, %arg10: memref<1024xi32, #tpu.memory_space<vmem>>, %arg11: memref<512xi32, #tpu.memory_space<vmem>>, %arg12: memref<512xi32, #tpu.memory_space<vmem>>, %arg13: memref<512x128xf32, #tpu.memory_space<vmem>>, %arg14: memref<2x64xf32, #tpu.memory_space<vmem>>, %arg15: memref<8x64xf32, #tpu.memory_space<vmem>>, %arg16: memref<16x128xf32, #tpu.memory_space<vmem>>, %arg17: memref<256xi32, #tpu.memory_space<vmem>>, %arg18: memref<16xi32, #tpu.memory_space<vmem>>, %arg19: memref<256xi32, #tpu.memory_space<vmem>>, %arg20: memref<16xi32, #tpu.memory_space<vmem>>, %arg21: memref<256xi32, #tpu.memory_space<vmem_shared>>, %arg22: memref<16x128xf32, #tpu.memory_space<vmem_shared>>, %arg23: memref<!tpu.dma_semaphore, #tpu.memory_space<semaphore_mem>>, %arg24: memref<!tpu.dma_semaphore, #tpu.memory_space<semaphore_mem>>, %arg25: memref<!tpu.dma_semaphore, #tpu.memory_space<semaphore_mem>>) attributes {dimension_semantics = [#tpu.dimension_semantics<core_parallel>, #tpu.dimension_semantics<subcore_parallel>], iteration_bounds = array<i64: 2, 16>, scalar_prefetch = 0 : i64, scratch_operands = 17 : i64, tpu.core_type = #tpu.core_type<sc_vector_subcore>, window_params = [{transform_indices = #map}, {transform_indices = #map}, {transform_indices = #map1}, {transform_indices = #map1}, {transform_indices = #map1}, {transform_indices = #map}, {transform_indices = #map}]} {
    %mul3A = arith.constant 2 : i32
    %mul3A_0 = arith.muli %arg1, %mul3A : i32
    %add3A = arith.addi %mul3A_0, %arg0 : i32
    %mul3A_1 = arith.constant 512 : i32
    %mul3A_2 = arith.muli %add3A, %mul3A_1 : i32
    %iota3A = tpu.iota {dimensions = array<i32: 0>} : vector<16xi32>
    %broadcast_in_dim3A = arith.constant 1 : i32
    %broadcast_in_dim3A_3 = vector.broadcast %broadcast_in_dim3A : i32 to vector<16xi32>
    tpu.enqueue_dma source(%arg4 : memref<2x64xf32, #tpu.memory_space<hbm>>) target(%arg14 : memref<2x64xf32, #tpu.memory_space<vmem>>) target_semaphore(%arg25 : memref<!tpu.dma_semaphore, #tpu.memory_space<semaphore_mem>>)
    tpu.enqueue_dma source(%arg5 : memref<8x64xf32, #tpu.memory_space<hbm>>) target(%arg15 : memref<8x64xf32, #tpu.memory_space<vmem>>) target_semaphore(%arg25 : memref<!tpu.dma_semaphore, #tpu.memory_space<semaphore_mem>>)
    %eq3A = arith.constant 0 : i32
    %eq3A_4 = arith.cmpi eq, %arg0, %eq3A : i32
    %convert_element_type3A = arith.extui %eq3A_4 : i1 to i32
    %cond3A = arith.constant 0 : i32
    %cond3A_5 = arith.cmpi ne, %convert_element_type3A, %cond3A : i32
    scf.if %cond3A_5 {
      %dma_start3A_193 = tpu.memref_slice %arg2[%mul3A_2] : memref<16384xi32, #tpu.memory_space<hbm>> -> memref<1024xi32, #tpu.memory_space<hbm>>
      %dma_start3A_194 = tpu.memref_slice %arg2[%mul3A_2] : memref<16384xi32, #tpu.memory_space<hbm>> -> memref<1024xi32, #tpu.memory_space<hbm>>
      tpu.enqueue_dma source(%dma_start3A_194 : memref<1024xi32, #tpu.memory_space<hbm>>) target(%arg9 : memref<1024xi32, #tpu.memory_space<vmem>>) target_semaphore(%arg23 : memref<!tpu.dma_semaphore, #tpu.memory_space<semaphore_mem>>)
      %dma_start3A_195 = tpu.memref_slice %arg3[%mul3A_2] : memref<16384xi32, #tpu.memory_space<hbm>> -> memref<1024xi32, #tpu.memory_space<hbm>>
      %dma_start3A_196 = tpu.memref_slice %arg3[%mul3A_2] : memref<16384xi32, #tpu.memory_space<hbm>> -> memref<1024xi32, #tpu.memory_space<hbm>>
      tpu.enqueue_dma source(%dma_start3A_196 : memref<1024xi32, #tpu.memory_space<hbm>>) target(%arg10 : memref<1024xi32, #tpu.memory_space<vmem>>) target_semaphore(%arg23 : memref<!tpu.dma_semaphore, #tpu.memory_space<semaphore_mem>>)
      %dma_wait3A_197 = tpu.memref_slice %arg2[%mul3A_2] : memref<16384xi32, #tpu.memory_space<hbm>> -> memref<1024xi32, #tpu.memory_space<hbm>>
      %dma_wait3A_198 = tpu.memref_slice %arg2[%mul3A_2] : memref<16384xi32, #tpu.memory_space<hbm>> -> memref<1024xi32, #tpu.memory_space<hbm>>
      tpu.wait_dma2 semaphore(%arg23 : memref<!tpu.dma_semaphore, #tpu.memory_space<semaphore_mem>>) src(%dma_wait3A_198 : memref<1024xi32, #tpu.memory_space<hbm>>) dst(%arg9 : memref<1024xi32, #tpu.memory_space<vmem>>)
      %dma_wait3A_199 = tpu.memref_slice %arg3[%mul3A_2] : memref<16384xi32, #tpu.memory_space<hbm>> -> memref<1024xi32, #tpu.memory_space<hbm>>
      %dma_wait3A_200 = tpu.memref_slice %arg3[%mul3A_2] : memref<16384xi32, #tpu.memory_space<hbm>> -> memref<1024xi32, #tpu.memory_space<hbm>>
      tpu.wait_dma2 semaphore(%arg23 : memref<!tpu.dma_semaphore, #tpu.memory_space<semaphore_mem>>) src(%dma_wait3A_200 : memref<1024xi32, #tpu.memory_space<hbm>>) dst(%arg10 : memref<1024xi32, #tpu.memory_space<vmem>>)
    } else {
    }
    %ne3A = arith.constant 0 : i32
    %ne3A_6 = arith.cmpi ne, %arg0, %ne3A : i32
    %convert_element_type3A_7 = arith.extui %ne3A_6 : i1 to i32
    %cond3A_8 = arith.constant 0 : i32
    %cond3A_9 = arith.cmpi ne, %convert_element_type3A_7, %cond3A_8 : i32
    scf.if %cond3A_9 {
      %dma_start3A_193 = arith.constant 0 : i32
      %dma_start3A_194 = tpu.memref_slice %arg9[%dma_start3A_193] : memref<1024xi32, #tpu.memory_space<vmem>> -> memref<512xi32, #tpu.memory_space<vmem>>
      %dma_start3A_195 = tpu.memref_slice %arg2[%mul3A_2] : memref<16384xi32, #tpu.memory_space<hbm>> -> memref<512xi32, #tpu.memory_space<hbm>>
      %dma_start3A_196 = arith.constant 0 : i32
      %dma_start3A_197 = tpu.memref_slice %arg9[%dma_start3A_196] : memref<1024xi32, #tpu.memory_space<vmem>> -> memref<512xi32, #tpu.memory_space<vmem>>
      %dma_start3A_198 = tpu.memref_slice %arg2[%mul3A_2] : memref<16384xi32, #tpu.memory_space<hbm>> -> memref<512xi32, #tpu.memory_space<hbm>>
      tpu.enqueue_dma source(%dma_start3A_198 : memref<512xi32, #tpu.memory_space<hbm>>) target(%dma_start3A_197 : memref<512xi32, #tpu.memory_space<vmem>>) target_semaphore(%arg23 : memref<!tpu.dma_semaphore, #tpu.memory_space<semaphore_mem>>)
      %dma_start3A_199 = arith.constant 0 : i32
      %dma_start3A_200 = tpu.memref_slice %arg10[%dma_start3A_199] : memref<1024xi32, #tpu.memory_space<vmem>> -> memref<512xi32, #tpu.memory_space<vmem>>
      %dma_start3A_201 = tpu.memref_slice %arg3[%mul3A_2] : memref<16384xi32, #tpu.memory_space<hbm>> -> memref<512xi32, #tpu.memory_space<hbm>>
      %dma_start3A_202 = arith.constant 0 : i32
      %dma_start3A_203 = tpu.memref_slice %arg10[%dma_start3A_202] : memref<1024xi32, #tpu.memory_space<vmem>> -> memref<512xi32, #tpu.memory_space<vmem>>
      %dma_start3A_204 = tpu.memref_slice %arg3[%mul3A_2] : memref<16384xi32, #tpu.memory_space<hbm>> -> memref<512xi32, #tpu.memory_space<hbm>>
      tpu.enqueue_dma source(%dma_start3A_204 : memref<512xi32, #tpu.memory_space<hbm>>) target(%dma_start3A_203 : memref<512xi32, #tpu.memory_space<vmem>>) target_semaphore(%arg23 : memref<!tpu.dma_semaphore, #tpu.memory_space<semaphore_mem>>)
      %dma_wait3A_205 = arith.constant 0 : i32
      %dma_wait3A_206 = tpu.memref_slice %arg9[%dma_wait3A_205] : memref<1024xi32, #tpu.memory_space<vmem>> -> memref<512xi32, #tpu.memory_space<vmem>>
      %dma_wait3A_207 = tpu.memref_slice %arg2[%mul3A_2] : memref<16384xi32, #tpu.memory_space<hbm>> -> memref<512xi32, #tpu.memory_space<hbm>>
      %dma_wait3A_208 = arith.constant 0 : i32
      %dma_wait3A_209 = tpu.memref_slice %arg9[%dma_wait3A_208] : memref<1024xi32, #tpu.memory_space<vmem>> -> memref<512xi32, #tpu.memory_space<vmem>>
      %dma_wait3A_210 = tpu.memref_slice %arg2[%mul3A_2] : memref<16384xi32, #tpu.memory_space<hbm>> -> memref<512xi32, #tpu.memory_space<hbm>>
      tpu.wait_dma2 semaphore(%arg23 : memref<!tpu.dma_semaphore, #tpu.memory_space<semaphore_mem>>) src(%dma_wait3A_210 : memref<512xi32, #tpu.memory_space<hbm>>) dst(%dma_wait3A_209 : memref<512xi32, #tpu.memory_space<vmem>>)
      %dma_wait3A_211 = arith.constant 0 : i32
      %dma_wait3A_212 = tpu.memref_slice %arg10[%dma_wait3A_211] : memref<1024xi32, #tpu.memory_space<vmem>> -> memref<512xi32, #tpu.memory_space<vmem>>
      %dma_wait3A_213 = tpu.memref_slice %arg3[%mul3A_2] : memref<16384xi32, #tpu.memory_space<hbm>> -> memref<512xi32, #tpu.memory_space<hbm>>
      %dma_wait3A_214 = arith.constant 0 : i32
      %dma_wait3A_215 = tpu.memref_slice %arg10[%dma_wait3A_214] : memref<1024xi32, #tpu.memory_space<vmem>> -> memref<512xi32, #tpu.memory_space<vmem>>
      %dma_wait3A_216 = tpu.memref_slice %arg3[%mul3A_2] : memref<16384xi32, #tpu.memory_space<hbm>> -> memref<512xi32, #tpu.memory_space<hbm>>
      tpu.wait_dma2 semaphore(%arg23 : memref<!tpu.dma_semaphore, #tpu.memory_space<semaphore_mem>>) src(%dma_wait3A_216 : memref<512xi32, #tpu.memory_space<hbm>>) dst(%dma_wait3A_215 : memref<512xi32, #tpu.memory_space<vmem>>)
    } else {
    }
    %eq3A_10 = arith.constant 0 : i32
    %eq3A_11 = arith.cmpi eq, %arg1, %eq3A_10 : i32
    %convert_element_type3A_12 = arith.extui %eq3A_11 : i1 to i32
    %cond3A_13 = arith.constant 0 : i32
    %cond3A_14 = arith.cmpi ne, %convert_element_type3A_12, %cond3A_13 : i32
    scf.if %cond3A_14 {
      tpu.wait_dma2 semaphore(%arg25 : memref<!tpu.dma_semaphore, #tpu.memory_space<semaphore_mem>>) src(%arg4 : memref<2x64xf32, #tpu.memory_space<hbm>>) dst(%arg14 : memref<2x64xf32, #tpu.memory_space<vmem>>)
      tpu.wait_dma2 semaphore(%arg25 : memref<!tpu.dma_semaphore, #tpu.memory_space<semaphore_mem>>) src(%arg5 : memref<8x64xf32, #tpu.memory_space<hbm>>) dst(%arg15 : memref<8x64xf32, #tpu.memory_space<vmem>>)
      %scan3A_193 = arith.constant 0 : i32
      %scan3A_194 = arith.constant 0 : i32
      %scan3A_195 = arith.constant 16 : i32
      %scan3A_196 = arith.addi %scan3A_194, %scan3A_195 : i32
      %scan3A_197 = arith.constant 1 : i32
      %scan3A_198 = scf.for %scan3A_200 = %scan3A_194 to %scan3A_196 step %scan3A_197 iter_args(%scan3A_201 = %scan3A_193) -> (i32)  : i32 {
        %jit3A = arith.constant 8 : i32
        %div3A = arith.divsi %scan3A_200, %jit3A : i32
        %sign3A = arith.constant 0 : i32
        %sign3A_202 = arith.cmpi sgt, %scan3A_200, %sign3A : i32
        %sign3A_203 = arith.extui %sign3A_202 : i1 to i32
        %sign3A_204 = arith.constant 0 : i32
        %sign3A_205 = arith.cmpi slt, %scan3A_200, %sign3A_204 : i32
        %sign3A_206 = arith.extui %sign3A_205 : i1 to i32
        %sign3A_207 = arith.subi %sign3A_203, %sign3A_206 : i32
        %sign3A_208 = arith.constant 0 : i32
        %sign3A_209 = arith.cmpi sgt, %jit3A, %sign3A_208 : i32
        %sign3A_210 = arith.extui %sign3A_209 : i1 to i32
        %sign3A_211 = arith.constant 0 : i32
        %sign3A_212 = arith.cmpi slt, %jit3A, %sign3A_211 : i32
        %sign3A_213 = arith.extui %sign3A_212 : i1 to i32
        %sign3A_214 = arith.subi %sign3A_210, %sign3A_213 : i32
        %ne3A_215 = arith.cmpi ne, %sign3A_207, %sign3A_214 : i32
        %rem3A = arith.remsi %scan3A_200, %jit3A : i32
        %ne3A_216 = arith.constant 0 : i32
        %ne3A_217 = arith.cmpi ne, %rem3A, %ne3A_216 : i32
        %and3A_218 = arith.andi %ne3A_215, %ne3A_217 : i1
        %sub3A = arith.constant 1 : i32
        %sub3A_219 = arith.subi %div3A, %sub3A : i32
        %select_n3A = arith.select %and3A_218, %sub3A_219, %div3A : i32
        %get3A = arith.index_cast %select_n3A : i32 to index
        %get3A_220 = arith.constant 0 : index
        %get3A_221 = tpu.vector_load %arg14[%get3A, %get3A_220] {strides = array<i32>} : memref<2x64xf32, #tpu.memory_space<vmem>>, vector<16xf32>,
        %swap3A = arith.index_cast %scan3A_200 : i32 to index
        %swap3A_222 = arith.constant 0 : index
        %swap3A_223 = tpu.vector_load %arg16[%swap3A, %swap3A_222] {strides = array<i32>} : memref<16x128xf32, #tpu.memory_space<vmem>>, vector<16xf32>,
        tpu.vector_store %arg16[%swap3A, %swap3A_222], %get3A_221 {strides = array<i32>} : memref<16x128xf32, #tpu.memory_space<vmem>>, vector<16xf32>,
        %jit3A_224 = arith.constant 8 : i32
        %eq3A_225 = arith.constant 0 : i32
        %eq3A_226 = arith.cmpi eq, %jit3A_224, %eq3A_225 : i32
        %jit3A_227 = arith.constant 1 : i32
        %select_n3A_228 = arith.select %eq3A_226, %jit3A_227, %jit3A_224 : i32
        %rem3A_229 = arith.remsi %scan3A_200, %select_n3A_228 : i32
        %ne3A_230 = arith.constant 0 : i32
        %ne3A_231 = arith.cmpi ne, %rem3A_229, %ne3A_230 : i32
        %lt3A = arith.constant 0 : i32
        %lt3A_232 = arith.cmpi slt, %rem3A_229, %lt3A : i32
        %lt3A_233 = arith.constant 0 : i32
        %lt3A_234 = arith.cmpi slt, %select_n3A_228, %lt3A_233 : i32
        %ne3A_235 = arith.xori %lt3A_232, %lt3A_234 : i1
        %and3A_236 = arith.andi %ne3A_235, %ne3A_231 : i1
        %add3A_237 = arith.addi %rem3A_229, %select_n3A_228 : i32
        %select_n3A_238 = arith.select %and3A_236, %add3A_237, %rem3A_229 : i32
        %get3A_239 = arith.index_cast %select_n3A_238 : i32 to index
        %get3A_240 = arith.constant 0 : index
        %get3A_241 = tpu.vector_load %arg15[%get3A_239, %get3A_240] {strides = array<i32>} : memref<8x64xf32, #tpu.memory_space<vmem>>, vector<16xf32>,
        %swap3A_242 = arith.index_cast %scan3A_200 : i32 to index
        %swap3A_243 = arith.constant 64 : index
        %swap3A_244 = tpu.vector_load %arg16[%swap3A_242, %swap3A_243] {strides = array<i32>} : memref<16x128xf32, #tpu.memory_space<vmem>>, vector<16xf32>,
        tpu.vector_store %arg16[%swap3A_242, %swap3A_243], %get3A_241 {strides = array<i32>} : memref<16x128xf32, #tpu.memory_space<vmem>>, vector<16xf32>,
        %jit3A_245 = arith.constant 8 : i32
        %div3A_246 = arith.divsi %scan3A_200, %jit3A_245 : i32
        %sign3A_247 = arith.constant 0 : i32
        %sign3A_248 = arith.cmpi sgt, %scan3A_200, %sign3A_247 : i32
        %sign3A_249 = arith.extui %sign3A_248 : i1 to i32
        %sign3A_250 = arith.constant 0 : i32
        %sign3A_251 = arith.cmpi slt, %scan3A_200, %sign3A_250 : i32
        %sign3A_252 = arith.extui %sign3A_251 : i1 to i32
        %sign3A_253 = arith.subi %sign3A_249, %sign3A_252 : i32
        %sign3A_254 = arith.constant 0 : i32
        %sign3A_255 = arith.cmpi sgt, %jit3A_245, %sign3A_254 : i32
        %sign3A_256 = arith.extui %sign3A_255 : i1 to i32
        %sign3A_257 = arith.constant 0 : i32
        %sign3A_258 = arith.cmpi slt, %jit3A_245, %sign3A_257 : i32
        %sign3A_259 = arith.extui %sign3A_258 : i1 to i32
        %sign3A_260 = arith.subi %sign3A_256, %sign3A_259 : i32
        %ne3A_261 = arith.cmpi ne, %sign3A_253, %sign3A_260 : i32
        %rem3A_262 = arith.remsi %scan3A_200, %jit3A_245 : i32
        %ne3A_263 = arith.constant 0 : i32
        %ne3A_264 = arith.cmpi ne, %rem3A_262, %ne3A_263 : i32
        %and3A_265 = arith.andi %ne3A_261, %ne3A_264 : i1
        %sub3A_266 = arith.constant 1 : i32
        %sub3A_267 = arith.subi %div3A_246, %sub3A_266 : i32
        %select_n3A_268 = arith.select %and3A_265, %sub3A_267, %div3A_246 : i32
        %get3A_269 = arith.index_cast %select_n3A_268 : i32 to index
        %get3A_270 = arith.constant 16 : index
        %get3A_271 = tpu.vector_load %arg14[%get3A_269, %get3A_270] {strides = array<i32>} : memref<2x64xf32, #tpu.memory_space<vmem>>, vector<16xf32>,
        %swap3A_272 = arith.index_cast %scan3A_200 : i32 to index
        %swap3A_273 = arith.constant 16 : index
        %swap3A_274 = tpu.vector_load %arg16[%swap3A_272, %swap3A_273] {strides = array<i32>} : memref<16x128xf32, #tpu.memory_space<vmem>>, vector<16xf32>,
        tpu.vector_store %arg16[%swap3A_272, %swap3A_273], %get3A_271 {strides = array<i32>} : memref<16x128xf32, #tpu.memory_space<vmem>>, vector<16xf32>,
        %jit3A_275 = arith.constant 8 : i32
        %eq3A_276 = arith.constant 0 : i32
        %eq3A_277 = arith.cmpi eq, %jit3A_275, %eq3A_276 : i32
        %jit3A_278 = arith.constant 1 : i32
        %select_n3A_279 = arith.select %eq3A_277, %jit3A_278, %jit3A_275 : i32
        %rem3A_280 = arith.remsi %scan3A_200, %select_n3A_279 : i32
        %ne3A_281 = arith.constant 0 : i32
        %ne3A_282 = arith.cmpi ne, %rem3A_280, %ne3A_281 : i32
        %lt3A_283 = arith.constant 0 : i32
        %lt3A_284 = arith.cmpi slt, %rem3A_280, %lt3A_283 : i32
        %lt3A_285 = arith.constant 0 : i32
        %lt3A_286 = arith.cmpi slt, %select_n3A_279, %lt3A_285 : i32
        %ne3A_287 = arith.xori %lt3A_284, %lt3A_286 : i1
        %and3A_288 = arith.andi %ne3A_287, %ne3A_282 : i1
        %add3A_289 = arith.addi %rem3A_280, %select_n3A_279 : i32
        %select_n3A_290 = arith.select %and3A_288, %add3A_289, %rem3A_280 : i32
        %get3A_291 = arith.index_cast %select_n3A_290 : i32 to index
        %get3A_292 = arith.constant 16 : index
        %get3A_293 = tpu.vector_load %arg15[%get3A_291, %get3A_292] {strides = array<i32>} : memref<8x64xf32, #tpu.memory_space<vmem>>, vector<16xf32>,
        %swap3A_294 = arith.index_cast %scan3A_200 : i32 to index
        %swap3A_295 = arith.constant 80 : index
        %swap3A_296 = tpu.vector_load %arg16[%swap3A_294, %swap3A_295] {strides = array<i32>} : memref<16x128xf32, #tpu.memory_space<vmem>>, vector<16xf32>,
        tpu.vector_store %arg16[%swap3A_294, %swap3A_295], %get3A_293 {strides = array<i32>} : memref<16x128xf32, #tpu.memory_space<vmem>>, vector<16xf32>,
        %jit3A_297 = arith.constant 8 : i32
        %div3A_298 = arith.divsi %scan3A_200, %jit3A_297 : i32
        %sign3A_299 = arith.constant 0 : i32
        %sign3A_300 = arith.cmpi sgt, %scan3A_200, %sign3A_299 : i32
        %sign3A_301 = arith.extui %sign3A_300 : i1 to i32
        %sign3A_302 = arith.constant 0 : i32
        %sign3A_303 = arith.cmpi slt, %scan3A_200, %sign3A_302 : i32
        %sign3A_304 = arith.extui %sign3A_303 : i1 to i32
        %sign3A_305 = arith.subi %sign3A_301, %sign3A_304 : i32
        %sign3A_306 = arith.constant 0 : i32
        %sign3A_307 = arith.cmpi sgt, %jit3A_297, %sign3A_306 : i32
        %sign3A_308 = arith.extui %sign3A_307 : i1 to i32
        %sign3A_309 = arith.constant 0 : i32
        %sign3A_310 = arith.cmpi slt, %jit3A_297, %sign3A_309 : i32
        %sign3A_311 = arith.extui %sign3A_310 : i1 to i32
        %sign3A_312 = arith.subi %sign3A_308, %sign3A_311 : i32
        %ne3A_313 = arith.cmpi ne, %sign3A_305, %sign3A_312 : i32
        %rem3A_314 = arith.remsi %scan3A_200, %jit3A_297 : i32
        %ne3A_315 = arith.constant 0 : i32
        %ne3A_316 = arith.cmpi ne, %rem3A_314, %ne3A_315 : i32
        %and3A_317 = arith.andi %ne3A_313, %ne3A_316 : i1
        %sub3A_318 = arith.constant 1 : i32
        %sub3A_319 = arith.subi %div3A_298, %sub3A_318 : i32
        %select_n3A_320 = arith.select %and3A_317, %sub3A_319, %div3A_298 : i32
        %get3A_321 = arith.index_cast %select_n3A_320 : i32 to index
        %get3A_322 = arith.constant 32 : index
        %get3A_323 = tpu.vector_load %arg14[%get3A_321, %get3A_322] {strides = array<i32>} : memref<2x64xf32, #tpu.memory_space<vmem>>, vector<16xf32>,
        %swap3A_324 = arith.index_cast %scan3A_200 : i32 to index
        %swap3A_325 = arith.constant 32 : index
        %swap3A_326 = tpu.vector_load %arg16[%swap3A_324, %swap3A_325] {strides = array<i32>} : memref<16x128xf32, #tpu.memory_space<vmem>>, vector<16xf32>,
        tpu.vector_store %arg16[%swap3A_324, %swap3A_325], %get3A_323 {strides = array<i32>} : memref<16x128xf32, #tpu.memory_space<vmem>>, vector<16xf32>,
        %jit3A_327 = arith.constant 8 : i32
        %eq3A_328 = arith.constant 0 : i32
        %eq3A_329 = arith.cmpi eq, %jit3A_327, %eq3A_328 : i32
        %jit3A_330 = arith.constant 1 : i32
        %select_n3A_331 = arith.select %eq3A_329, %jit3A_330, %jit3A_327 : i32
        %rem3A_332 = arith.remsi %scan3A_200, %select_n3A_331 : i32
        %ne3A_333 = arith.constant 0 : i32
        %ne3A_334 = arith.cmpi ne, %rem3A_332, %ne3A_333 : i32
        %lt3A_335 = arith.constant 0 : i32
        %lt3A_336 = arith.cmpi slt, %rem3A_332, %lt3A_335 : i32
        %lt3A_337 = arith.constant 0 : i32
        %lt3A_338 = arith.cmpi slt, %select_n3A_331, %lt3A_337 : i32
        %ne3A_339 = arith.xori %lt3A_336, %lt3A_338 : i1
        %and3A_340 = arith.andi %ne3A_339, %ne3A_334 : i1
        %add3A_341 = arith.addi %rem3A_332, %select_n3A_331 : i32
        %select_n3A_342 = arith.select %and3A_340, %add3A_341, %rem3A_332 : i32
        %get3A_343 = arith.index_cast %select_n3A_342 : i32 to index
        %get3A_344 = arith.constant 32 : index
        %get3A_345 = tpu.vector_load %arg15[%get3A_343, %get3A_344] {strides = array<i32>} : memref<8x64xf32, #tpu.memory_space<vmem>>, vector<16xf32>,
        %swap3A_346 = arith.index_cast %scan3A_200 : i32 to index
        %swap3A_347 = arith.constant 96 : index
        %swap3A_348 = tpu.vector_load %arg16[%swap3A_346, %swap3A_347] {strides = array<i32>} : memref<16x128xf32, #tpu.memory_space<vmem>>, vector<16xf32>,
        tpu.vector_store %arg16[%swap3A_346, %swap3A_347], %get3A_345 {strides = array<i32>} : memref<16x128xf32, #tpu.memory_space<vmem>>, vector<16xf32>,
        %jit3A_349 = arith.constant 8 : i32
        %div3A_350 = arith.divsi %scan3A_200, %jit3A_349 : i32
        %sign3A_351 = arith.constant 0 : i32
        %sign3A_352 = arith.cmpi sgt, %scan3A_200, %sign3A_351 : i32
        %sign3A_353 = arith.extui %sign3A_352 : i1 to i32
        %sign3A_354 = arith.constant 0 : i32
        %sign3A_355 = arith.cmpi slt, %scan3A_200, %sign3A_354 : i32
        %sign3A_356 = arith.extui %sign3A_355 : i1 to i32
        %sign3A_357 = arith.subi %sign3A_353, %sign3A_356 : i32
        %sign3A_358 = arith.constant 0 : i32
        %sign3A_359 = arith.cmpi sgt, %jit3A_349, %sign3A_358 : i32
        %sign3A_360 = arith.extui %sign3A_359 : i1 to i32
        %sign3A_361 = arith.constant 0 : i32
        %sign3A_362 = arith.cmpi slt, %jit3A_349, %sign3A_361 : i32
        %sign3A_363 = arith.extui %sign3A_362 : i1 to i32
        %sign3A_364 = arith.subi %sign3A_360, %sign3A_363 : i32
        %ne3A_365 = arith.cmpi ne, %sign3A_357, %sign3A_364 : i32
        %rem3A_366 = arith.remsi %scan3A_200, %jit3A_349 : i32
        %ne3A_367 = arith.constant 0 : i32
        %ne3A_368 = arith.cmpi ne, %rem3A_366, %ne3A_367 : i32
        %and3A_369 = arith.andi %ne3A_365, %ne3A_368 : i1
        %sub3A_370 = arith.constant 1 : i32
        %sub3A_371 = arith.subi %div3A_350, %sub3A_370 : i32
        %select_n3A_372 = arith.select %and3A_369, %sub3A_371, %div3A_350 : i32
        %get3A_373 = arith.index_cast %select_n3A_372 : i32 to index
        %get3A_374 = arith.constant 48 : index
        %get3A_375 = tpu.vector_load %arg14[%get3A_373, %get3A_374] {strides = array<i32>} : memref<2x64xf32, #tpu.memory_space<vmem>>, vector<16xf32>,
        %swap3A_376 = arith.index_cast %scan3A_200 : i32 to index
        %swap3A_377 = arith.constant 48 : index
        %swap3A_378 = tpu.vector_load %arg16[%swap3A_376, %swap3A_377] {strides = array<i32>} : memref<16x128xf32, #tpu.memory_space<vmem>>, vector<16xf32>,
        tpu.vector_store %arg16[%swap3A_376, %swap3A_377], %get3A_375 {strides = array<i32>} : memref<16x128xf32, #tpu.memory_space<vmem>>, vector<16xf32>,
        %jit3A_379 = arith.constant 8 : i32
        %eq3A_380 = arith.constant 0 : i32
        %eq3A_381 = arith.cmpi eq, %jit3A_379, %eq3A_380 : i32
        %jit3A_382 = arith.constant 1 : i32
        %select_n3A_383 = arith.select %eq3A_381, %jit3A_382, %jit3A_379 : i32
        %rem3A_384 = arith.remsi %scan3A_200, %select_n3A_383 : i32
        %ne3A_385 = arith.constant 0 : i32
        %ne3A_386 = arith.cmpi ne, %rem3A_384, %ne3A_385 : i32
        %lt3A_387 = arith.constant 0 : i32
        %lt3A_388 = arith.cmpi slt, %rem3A_384, %lt3A_387 : i32
        %lt3A_389 = arith.constant 0 : i32
        %lt3A_390 = arith.cmpi slt, %select_n3A_383, %lt3A_389 : i32
        %ne3A_391 = arith.xori %lt3A_388, %lt3A_390 : i1
        %and3A_392 = arith.andi %ne3A_391, %ne3A_386 : i1
        %add3A_393 = arith.addi %rem3A_384, %select_n3A_383 : i32
        %select_n3A_394 = arith.select %and3A_392, %add3A_393, %rem3A_384 : i32
        %get3A_395 = arith.index_cast %select_n3A_394 : i32 to index
        %get3A_396 = arith.constant 48 : index
        %get3A_397 = tpu.vector_load %arg15[%get3A_395, %get3A_396] {strides = array<i32>} : memref<8x64xf32, #tpu.memory_space<vmem>>, vector<16xf32>,
        %swap3A_398 = arith.index_cast %scan3A_200 : i32 to index
        %swap3A_399 = arith.constant 112 : index
        %swap3A_400 = tpu.vector_load %arg16[%swap3A_398, %swap3A_399] {strides = array<i32>} : memref<16x128xf32, #tpu.memory_space<vmem>>, vector<16xf32>,
        tpu.vector_store %arg16[%swap3A_398, %swap3A_399], %get3A_397 {strides = array<i32>} : memref<16x128xf32, #tpu.memory_space<vmem>>, vector<16xf32>,
        %scan3A_401 = arith.constant 0 : i32
        scf.yield %scan3A_401 : i32
      }
      %scan3A_199 = arith.constant 16 : i32
      "tpu.region"() ({
        %run_scoped3A = tpu.sem_alloc : memref<!tpu.dma_semaphore, #tpu.memory_space<semaphore_mem>>
        tpu.enqueue_dma source(%arg16 : memref<16x128xf32, #tpu.memory_space<vmem>>) target(%arg22 : memref<16x128xf32, #tpu.memory_space<vmem_shared>>) target_semaphore(%run_scoped3A : memref<!tpu.dma_semaphore, #tpu.memory_space<semaphore_mem>>)
        tpu.wait_dma2 semaphore(%run_scoped3A : memref<!tpu.dma_semaphore, #tpu.memory_space<semaphore_mem>>) src(%arg16 : memref<16x128xf32, #tpu.memory_space<vmem>>) dst(%arg22 : memref<16x128xf32, #tpu.memory_space<vmem_shared>>)
        tpu.yield
      }) : () -> ()
    } else {
    }
    %ne3A_15 = arith.constant 0 : i32
    %ne3A_16 = arith.cmpi ne, %arg1, %ne3A_15 : i32
    %convert_element_type3A_17 = arith.extui %ne3A_16 : i1 to i32
    %cond3A_18 = arith.constant 0 : i32
    %cond3A_19 = arith.cmpi ne, %convert_element_type3A_17, %cond3A_18 : i32
    scf.if %cond3A_19 {
      tpu.wait_dma2 semaphore(%arg25 : memref<!tpu.dma_semaphore, #tpu.memory_space<semaphore_mem>>) src(%arg4 : memref<2x64xf32, #tpu.memory_space<hbm>>) dst(%arg14 : memref<2x64xf32, #tpu.memory_space<vmem>>)
      tpu.wait_dma2 semaphore(%arg25 : memref<!tpu.dma_semaphore, #tpu.memory_space<semaphore_mem>>) src(%arg5 : memref<8x64xf32, #tpu.memory_space<hbm>>) dst(%arg15 : memref<8x64xf32, #tpu.memory_space<vmem>>)
    } else {
    }
    %scan3A = arith.constant 0 : i32
    %scan3A_20 = arith.constant 0 : i32
    %scan3A_21 = arith.constant 32 : i32
    %scan3A_22 = arith.addi %scan3A_20, %scan3A_21 : i32
    %scan3A_23 = arith.constant 1 : i32
    %scan3A_24 = scf.for %scan3A_193 = %scan3A_20 to %scan3A_22 step %scan3A_23 iter_args(%scan3A_194 = %scan3A) -> (i32)  : i32 {
      %mul3A_195 = arith.constant 16 : i32
      %mul3A_196 = arith.muli %scan3A_193, %mul3A_195 : i32
      %get3A = arith.index_cast %mul3A_196 : i32 to index
      %get3A_197 = tpu.vector_load %arg9[%get3A] {strides = array<i32>} : memref<1024xi32, #tpu.memory_space<vmem>>, vector<16xi32>,
      %mul3A_198 = arith.constant 16 : i32
      %mul3A_199 = arith.muli %scan3A_193, %mul3A_198 : i32
      %get3A_200 = arith.index_cast %mul3A_199 : i32 to index
      %get3A_201 = tpu.vector_load %arg10[%get3A_200] {strides = array<i32>} : memref<1024xi32, #tpu.memory_space<vmem>>, vector<16xi32>,
      %mul3A_202 = arith.constant 8 : i32
      %mul3A_203 = vector.broadcast %mul3A_202 : i32 to vector<16xi32>
      %mul3A_204 = arith.muli %get3A_197, %mul3A_203 : vector<16xi32>
      %add3A_205 = arith.addi %mul3A_204, %get3A_201 : vector<16xi32>
      %mul3A_206 = arith.constant 16 : i32
      %mul3A_207 = arith.muli %scan3A_193, %mul3A_206 : i32
      %swap3A = arith.index_cast %mul3A_207 : i32 to index
      %swap3A_208 = tpu.vector_load %arg11[%swap3A] {strides = array<i32>} : memref<512xi32, #tpu.memory_space<vmem>>, vector<16xi32>,
      tpu.vector_store %arg11[%swap3A], %add3A_205 {strides = array<i32>} : memref<512xi32, #tpu.memory_space<vmem>>, vector<16xi32>,
      %mul3A_209 = arith.constant 16 : i32
      %mul3A_210 = arith.muli %scan3A_193, %mul3A_209 : i32
      %swap3A_211 = arith.index_cast %mul3A_210 : i32 to index
      %swap3A_212 = tpu.vector_load %arg12[%swap3A_211] {strides = array<i32>} : memref<512xi32, #tpu.memory_space<vmem>>, vector<16xi32>,
      tpu.vector_store %arg12[%swap3A_211], %add3A_205 {strides = array<i32>} : memref<512xi32, #tpu.memory_space<vmem>>, vector<16xi32>,
      %scan3A_213 = arith.constant 0 : i32
      scf.yield %scan3A_213 : i32
    }
    %scan3A_25 = arith.constant 32 : i32
    %dma_start3A = tpu.memref_slice %arg7[%mul3A_2] : memref<16384xi32, #tpu.memory_space<hbm>> -> memref<512xi32, #tpu.memory_space<hbm>>
    %dma_start3A_26 = tpu.memref_slice %arg7[%mul3A_2] : memref<16384xi32, #tpu.memory_space<hbm>> -> memref<512xi32, #tpu.memory_space<hbm>>
    tpu.enqueue_dma source(%arg11 : memref<512xi32, #tpu.memory_space<vmem>>) target(%dma_start3A_26 : memref<512xi32, #tpu.memory_space<hbm>>) target_semaphore(%arg24 : memref<!tpu.dma_semaphore, #tpu.memory_space<semaphore_mem>>)
    %barrier3A = arith.constant 0 : index
    tpu.barrier barrier_id(%barrier3A)
    %dma_start3A_27 = arith.constant 0 : i32
    %dma_start3A_28 = arith.constant 0 : i32
    %dma_start3A_29 = tpu.memref_slice %arg13[%dma_start3A_27, %dma_start3A_28] : memref<512x128xf32, #tpu.memory_space<vmem>> -> memref<128x128xf32, #tpu.memory_space<vmem>>
    %dma_start3A_30 = arith.constant 0 : i32
    %dma_start3A_31 = tpu.memref_slice %arg12[%dma_start3A_30] : memref<512xi32, #tpu.memory_space<vmem>> -> memref<128xi32, #tpu.memory_space<vmem>>
    %dma_start3A_32 = arith.constant 0 : i32
    %dma_start3A_33 = arith.constant 0 : i32
    %dma_start3A_34 = tpu.memref_slice %arg22[%dma_start3A_32, %dma_start3A_33] : memref<16x128xf32, #tpu.memory_space<vmem_shared>> -> memref<16x128xf32, #tpu.memory_space<vmem_shared>>
    tpu.enqueue_indirect_dma source(%dma_start3A_34 : memref<16x128xf32, #tpu.memory_space<vmem_shared>>) target(%dma_start3A_29 : memref<128x128xf32, #tpu.memory_space<vmem>>) offsets(%dma_start3A_31 : memref<128xi32, #tpu.memory_space<vmem>>) semaphore(%arg23 : memref<!tpu.dma_semaphore, #tpu.memory_space<semaphore_mem>>)
    %dma_start3A_35 = arith.constant 128 : i32
    %dma_start3A_36 = arith.constant 0 : i32
    %dma_start3A_37 = tpu.memref_slice %arg13[%dma_start3A_35, %dma_start3A_36] : memref<512x128xf32, #tpu.memory_space<vmem>> -> memref<128x128xf32, #tpu.memory_space<vmem>>
    %dma_start3A_38 = arith.constant 128 : i32
    %dma_start3A_39 = tpu.memref_slice %arg12[%dma_start3A_38] : memref<512xi32, #tpu.memory_space<vmem>> -> memref<128xi32, #tpu.memory_space<vmem>>
    %dma_start3A_40 = arith.constant 0 : i32
    %dma_start3A_41 = arith.constant 0 : i32
    %dma_start3A_42 = tpu.memref_slice %arg22[%dma_start3A_40, %dma_start3A_41] : memref<16x128xf32, #tpu.memory_space<vmem_shared>> -> memref<16x128xf32, #tpu.memory_space<vmem_shared>>
    tpu.enqueue_indirect_dma source(%dma_start3A_42 : memref<16x128xf32, #tpu.memory_space<vmem_shared>>) target(%dma_start3A_37 : memref<128x128xf32, #tpu.memory_space<vmem>>) offsets(%dma_start3A_39 : memref<128xi32, #tpu.memory_space<vmem>>) semaphore(%arg23 : memref<!tpu.dma_semaphore, #tpu.memory_space<semaphore_mem>>)
    %dma_start3A_43 = arith.constant 256 : i32
    %dma_start3A_44 = arith.constant 0 : i32
    %dma_start3A_45 = tpu.memref_slice %arg13[%dma_start3A_43, %dma_start3A_44] : memref<512x128xf32, #tpu.memory_space<vmem>> -> memref<128x128xf32, #tpu.memory_space<vmem>>
    %dma_start3A_46 = arith.constant 256 : i32
    %dma_start3A_47 = tpu.memref_slice %arg12[%dma_start3A_46] : memref<512xi32, #tpu.memory_space<vmem>> -> memref<128xi32, #tpu.memory_space<vmem>>
    %dma_start3A_48 = arith.constant 0 : i32
    %dma_start3A_49 = arith.constant 0 : i32
    %dma_start3A_50 = tpu.memref_slice %arg22[%dma_start3A_48, %dma_start3A_49] : memref<16x128xf32, #tpu.memory_space<vmem_shared>> -> memref<16x128xf32, #tpu.memory_space<vmem_shared>>
    tpu.enqueue_indirect_dma source(%dma_start3A_50 : memref<16x128xf32, #tpu.memory_space<vmem_shared>>) target(%dma_start3A_45 : memref<128x128xf32, #tpu.memory_space<vmem>>) offsets(%dma_start3A_47 : memref<128xi32, #tpu.memory_space<vmem>>) semaphore(%arg23 : memref<!tpu.dma_semaphore, #tpu.memory_space<semaphore_mem>>)
    %dma_start3A_51 = arith.constant 384 : i32
    %dma_start3A_52 = arith.constant 0 : i32
    %dma_start3A_53 = tpu.memref_slice %arg13[%dma_start3A_51, %dma_start3A_52] : memref<512x128xf32, #tpu.memory_space<vmem>> -> memref<128x128xf32, #tpu.memory_space<vmem>>
    %dma_start3A_54 = arith.constant 384 : i32
    %dma_start3A_55 = tpu.memref_slice %arg12[%dma_start3A_54] : memref<512xi32, #tpu.memory_space<vmem>> -> memref<128xi32, #tpu.memory_space<vmem>>
    %dma_start3A_56 = arith.constant 0 : i32
    %dma_start3A_57 = arith.constant 0 : i32
    %dma_start3A_58 = tpu.memref_slice %arg22[%dma_start3A_56, %dma_start3A_57] : memref<16x128xf32, #tpu.memory_space<vmem_shared>> -> memref<16x128xf32, #tpu.memory_space<vmem_shared>>
    tpu.enqueue_indirect_dma source(%dma_start3A_58 : memref<16x128xf32, #tpu.memory_space<vmem_shared>>) target(%dma_start3A_53 : memref<128x128xf32, #tpu.memory_space<vmem>>) offsets(%dma_start3A_55 : memref<128xi32, #tpu.memory_space<vmem>>) semaphore(%arg23 : memref<!tpu.dma_semaphore, #tpu.memory_space<semaphore_mem>>)
    %dma_wait3A = arith.constant 0 : i32
    %dma_wait3A_59 = arith.constant 0 : i32
    %dma_wait3A_60 = tpu.memref_slice %arg13[%dma_wait3A, %dma_wait3A_59] : memref<512x128xf32, #tpu.memory_space<vmem>> -> memref<128x128xf32, #tpu.memory_space<vmem>>
    %dma_wait3A_61 = arith.constant 0 : i32
    %dma_wait3A_62 = tpu.memref_slice %arg12[%dma_wait3A_61] : memref<512xi32, #tpu.memory_space<vmem>> -> memref<128xi32, #tpu.memory_space<vmem>>
    %dma_wait3A_63 = arith.constant 0 : i32
    %dma_wait3A_64 = arith.constant 0 : i32
    %dma_wait3A_65 = tpu.memref_slice %arg22[%dma_wait3A_63, %dma_wait3A_64] : memref<16x128xf32, #tpu.memory_space<vmem_shared>> -> memref<16x128xf32, #tpu.memory_space<vmem_shared>>
    tpu.wait_indirect_dma semaphore(%arg23 : memref<!tpu.dma_semaphore, #tpu.memory_space<semaphore_mem>>) src(%dma_wait3A_65 : memref<16x128xf32, #tpu.memory_space<vmem_shared>>) dst(%dma_wait3A_60 : memref<128x128xf32, #tpu.memory_space<vmem>>)
    %add3A_66 = arith.constant 0 : i32
    %add3A_67 = arith.addi %mul3A_2, %add3A_66 : i32
    %dma_start3A_68 = arith.constant 0 : i32
    %dma_start3A_69 = arith.constant 0 : i32
    %dma_start3A_70 = tpu.memref_slice %arg13[%dma_start3A_68, %dma_start3A_69] : memref<512x128xf32, #tpu.memory_space<vmem>> -> memref<128x128xf32, #tpu.memory_space<vmem>>
    %dma_start3A_71 = arith.constant 0 : i32
    %dma_start3A_72 = tpu.memref_slice %arg6[%add3A_67, %dma_start3A_71] : memref<16384x128xf32, #tpu.memory_space<hbm>> -> memref<128x128xf32, #tpu.memory_space<hbm>>
    %dma_start3A_73 = arith.constant 0 : i32
    %dma_start3A_74 = tpu.memref_slice %arg6[%add3A_67, %dma_start3A_73] : memref<16384x128xf32, #tpu.memory_space<hbm>> -> memref<128x128xf32, #tpu.memory_space<hbm>>
    %dma_start3A_75 = arith.constant 0 : i32
    %dma_start3A_76 = arith.constant 0 : i32
    %dma_start3A_77 = tpu.memref_slice %arg13[%dma_start3A_75, %dma_start3A_76] : memref<512x128xf32, #tpu.memory_space<vmem>> -> memref<128x128xf32, #tpu.memory_space<vmem>>
    tpu.enqueue_dma source(%dma_start3A_77 : memref<128x128xf32, #tpu.memory_space<vmem>>) target(%dma_start3A_74 : memref<128x128xf32, #tpu.memory_space<hbm>>) target_semaphore(%arg24 : memref<!tpu.dma_semaphore, #tpu.memory_space<semaphore_mem>>)
    %dma_wait3A_78 = arith.constant 128 : i32
    %dma_wait3A_79 = arith.constant 0 : i32
    %dma_wait3A_80 = tpu.memref_slice %arg13[%dma_wait3A_78, %dma_wait3A_79] : memref<512x128xf32, #tpu.memory_space<vmem>> -> memref<128x128xf32, #tpu.memory_space<vmem>>
    %dma_wait3A_81 = arith.constant 128 : i32
    %dma_wait3A_82 = tpu.memref_slice %arg12[%dma_wait3A_81] : memref<512xi32, #tpu.memory_space<vmem>> -> memref<128xi32, #tpu.memory_space<vmem>>
    %dma_wait3A_83 = arith.constant 0 : i32
    %dma_wait3A_84 = arith.constant 0 : i32
    %dma_wait3A_85 = tpu.memref_slice %arg22[%dma_wait3A_83, %dma_wait3A_84] : memref<16x128xf32, #tpu.memory_space<vmem_shared>> -> memref<16x128xf32, #tpu.memory_space<vmem_shared>>
    tpu.wait_indirect_dma semaphore(%arg23 : memref<!tpu.dma_semaphore, #tpu.memory_space<semaphore_mem>>) src(%dma_wait3A_85 : memref<16x128xf32, #tpu.memory_space<vmem_shared>>) dst(%dma_wait3A_80 : memref<128x128xf32, #tpu.memory_space<vmem>>)
    %add3A_86 = arith.constant 128 : i32
    %add3A_87 = arith.addi %mul3A_2, %add3A_86 : i32
    %dma_start3A_88 = arith.constant 128 : i32
    %dma_start3A_89 = arith.constant 0 : i32
    %dma_start3A_90 = tpu.memref_slice %arg13[%dma_start3A_88, %dma_start3A_89] : memref<512x128xf32, #tpu.memory_space<vmem>> -> memref<128x128xf32, #tpu.memory_space<vmem>>
    %dma_start3A_91 = arith.constant 0 : i32
    %dma_start3A_92 = tpu.memref_slice %arg6[%add3A_87, %dma_start3A_91] : memref<16384x128xf32, #tpu.memory_space<hbm>> -> memref<128x128xf32, #tpu.memory_space<hbm>>
    %dma_start3A_93 = arith.constant 0 : i32
    %dma_start3A_94 = tpu.memref_slice %arg6[%add3A_87, %dma_start3A_93] : memref<16384x128xf32, #tpu.memory_space<hbm>> -> memref<128x128xf32, #tpu.memory_space<hbm>>
    %dma_start3A_95 = arith.constant 128 : i32
    %dma_start3A_96 = arith.constant 0 : i32
    %dma_start3A_97 = tpu.memref_slice %arg13[%dma_start3A_95, %dma_start3A_96] : memref<512x128xf32, #tpu.memory_space<vmem>> -> memref<128x128xf32, #tpu.memory_space<vmem>>
    tpu.enqueue_dma source(%dma_start3A_97 : memref<128x128xf32, #tpu.memory_space<vmem>>) target(%dma_start3A_94 : memref<128x128xf32, #tpu.memory_space<hbm>>) target_semaphore(%arg24 : memref<!tpu.dma_semaphore, #tpu.memory_space<semaphore_mem>>)
    %dma_wait3A_98 = arith.constant 256 : i32
    %dma_wait3A_99 = arith.constant 0 : i32
    %dma_wait3A_100 = tpu.memref_slice %arg13[%dma_wait3A_98, %dma_wait3A_99] : memref<512x128xf32, #tpu.memory_space<vmem>> -> memref<128x128xf32, #tpu.memory_space<vmem>>
    %dma_wait3A_101 = arith.constant 256 : i32
    %dma_wait3A_102 = tpu.memref_slice %arg12[%dma_wait3A_101] : memref<512xi32, #tpu.memory_space<vmem>> -> memref<128xi32, #tpu.memory_space<vmem>>
    %dma_wait3A_103 = arith.constant 0 : i32
    %dma_wait3A_104 = arith.constant 0 : i32
    %dma_wait3A_105 = tpu.memref_slice %arg22[%dma_wait3A_103, %dma_wait3A_104] : memref<16x128xf32, #tpu.memory_space<vmem_shared>> -> memref<16x128xf32, #tpu.memory_space<vmem_shared>>
    tpu.wait_indirect_dma semaphore(%arg23 : memref<!tpu.dma_semaphore, #tpu.memory_space<semaphore_mem>>) src(%dma_wait3A_105 : memref<16x128xf32, #tpu.memory_space<vmem_shared>>) dst(%dma_wait3A_100 : memref<128x128xf32, #tpu.memory_space<vmem>>)
    %add3A_106 = arith.constant 256 : i32
    %add3A_107 = arith.addi %mul3A_2, %add3A_106 : i32
    %dma_start3A_108 = arith.constant 256 : i32
    %dma_start3A_109 = arith.constant 0 : i32
    %dma_start3A_110 = tpu.memref_slice %arg13[%dma_start3A_108, %dma_start3A_109] : memref<512x128xf32, #tpu.memory_space<vmem>> -> memref<128x128xf32, #tpu.memory_space<vmem>>
    %dma_start3A_111 = arith.constant 0 : i32
    %dma_start3A_112 = tpu.memref_slice %arg6[%add3A_107, %dma_start3A_111] : memref<16384x128xf32, #tpu.memory_space<hbm>> -> memref<128x128xf32, #tpu.memory_space<hbm>>
    %dma_start3A_113 = arith.constant 0 : i32
    %dma_start3A_114 = tpu.memref_slice %arg6[%add3A_107, %dma_start3A_113] : memref<16384x128xf32, #tpu.memory_space<hbm>> -> memref<128x128xf32, #tpu.memory_space<hbm>>
    %dma_start3A_115 = arith.constant 256 : i32
    %dma_start3A_116 = arith.constant 0 : i32
    %dma_start3A_117 = tpu.memref_slice %arg13[%dma_start3A_115, %dma_start3A_116] : memref<512x128xf32, #tpu.memory_space<vmem>> -> memref<128x128xf32, #tpu.memory_space<vmem>>
    tpu.enqueue_dma source(%dma_start3A_117 : memref<128x128xf32, #tpu.memory_space<vmem>>) target(%dma_start3A_114 : memref<128x128xf32, #tpu.memory_space<hbm>>) target_semaphore(%arg24 : memref<!tpu.dma_semaphore, #tpu.memory_space<semaphore_mem>>)
    %dma_wait3A_118 = arith.constant 384 : i32
    %dma_wait3A_119 = arith.constant 0 : i32
    %dma_wait3A_120 = tpu.memref_slice %arg13[%dma_wait3A_118, %dma_wait3A_119] : memref<512x128xf32, #tpu.memory_space<vmem>> -> memref<128x128xf32, #tpu.memory_space<vmem>>
    %dma_wait3A_121 = arith.constant 384 : i32
    %dma_wait3A_122 = tpu.memref_slice %arg12[%dma_wait3A_121] : memref<512xi32, #tpu.memory_space<vmem>> -> memref<128xi32, #tpu.memory_space<vmem>>
    %dma_wait3A_123 = arith.constant 0 : i32
    %dma_wait3A_124 = arith.constant 0 : i32
    %dma_wait3A_125 = tpu.memref_slice %arg22[%dma_wait3A_123, %dma_wait3A_124] : memref<16x128xf32, #tpu.memory_space<vmem_shared>> -> memref<16x128xf32, #tpu.memory_space<vmem_shared>>
    tpu.wait_indirect_dma semaphore(%arg23 : memref<!tpu.dma_semaphore, #tpu.memory_space<semaphore_mem>>) src(%dma_wait3A_125 : memref<16x128xf32, #tpu.memory_space<vmem_shared>>) dst(%dma_wait3A_120 : memref<128x128xf32, #tpu.memory_space<vmem>>)
    %add3A_126 = arith.constant 384 : i32
    %add3A_127 = arith.addi %mul3A_2, %add3A_126 : i32
    %dma_start3A_128 = arith.constant 384 : i32
    %dma_start3A_129 = arith.constant 0 : i32
    %dma_start3A_130 = tpu.memref_slice %arg13[%dma_start3A_128, %dma_start3A_129] : memref<512x128xf32, #tpu.memory_space<vmem>> -> memref<128x128xf32, #tpu.memory_space<vmem>>
    %dma_start3A_131 = arith.constant 0 : i32
    %dma_start3A_132 = tpu.memref_slice %arg6[%add3A_127, %dma_start3A_131] : memref<16384x128xf32, #tpu.memory_space<hbm>> -> memref<128x128xf32, #tpu.memory_space<hbm>>
    %dma_start3A_133 = arith.constant 0 : i32
    %dma_start3A_134 = tpu.memref_slice %arg6[%add3A_127, %dma_start3A_133] : memref<16384x128xf32, #tpu.memory_space<hbm>> -> memref<128x128xf32, #tpu.memory_space<hbm>>
    %dma_start3A_135 = arith.constant 384 : i32
    %dma_start3A_136 = arith.constant 0 : i32
    %dma_start3A_137 = tpu.memref_slice %arg13[%dma_start3A_135, %dma_start3A_136] : memref<512x128xf32, #tpu.memory_space<vmem>> -> memref<128x128xf32, #tpu.memory_space<vmem>>
    tpu.enqueue_dma source(%dma_start3A_137 : memref<128x128xf32, #tpu.memory_space<vmem>>) target(%dma_start3A_134 : memref<128x128xf32, #tpu.memory_space<hbm>>) target_semaphore(%arg24 : memref<!tpu.dma_semaphore, #tpu.memory_space<semaphore_mem>>)
    %eq3A_138 = arith.constant 0 : i32
    %eq3A_139 = arith.cmpi eq, %arg0, %eq3A_138 : i32
    %convert_element_type3A_140 = arith.extui %eq3A_139 : i1 to i32
    %cond3A_141 = arith.constant 0 : i32
    %cond3A_142 = arith.cmpi ne, %convert_element_type3A_140, %cond3A_141 : i32
    scf.if %cond3A_142 {
      %broadcast_in_dim3A_193 = arith.constant 0 : i32
      %broadcast_in_dim3A_194 = vector.broadcast %broadcast_in_dim3A_193 : i32 to vector<16xi32>
      %scan3A_195 = arith.constant 0 : i32
      %scan3A_196 = arith.constant 0 : i32
      %scan3A_197 = arith.constant 16 : i32
      %scan3A_198 = arith.addi %scan3A_196, %scan3A_197 : i32
      %scan3A_199 = arith.constant 1 : i32
      %scan3A_200 = scf.for %scan3A_223 = %scan3A_196 to %scan3A_198 step %scan3A_199 iter_args(%scan3A_224 = %scan3A_195) -> (i32)  : i32 {
        %mul3A_225 = arith.constant 16 : i32
        %mul3A_226 = arith.muli %scan3A_223, %mul3A_225 : i32
        %swap3A_227 = arith.index_cast %mul3A_226 : i32 to index
        %swap3A_228 = tpu.vector_load %arg17[%swap3A_227] {strides = array<i32>} : memref<256xi32, #tpu.memory_space<vmem>>, vector<16xi32>,
        tpu.vector_store %arg17[%swap3A_227], %broadcast_in_dim3A_194 {strides = array<i32>} : memref<256xi32, #tpu.memory_space<vmem>>, vector<16xi32>,
        %scan3A_229 = arith.constant 0 : i32
        scf.yield %scan3A_229 : i32
      }
      %scan3A_201 = arith.constant 16 : i32
      %mul3A_202 = arith.constant 16 : i32
      %mul3A_203 = vector.broadcast %mul3A_202 : i32 to vector<16xi32>
      %mul3A_204 = arith.muli %iota3A, %mul3A_203 : vector<16xi32>
      %scan3A_205 = arith.constant 0 : i32
      %scan3A_206 = arith.constant 0 : i32
      %scan3A_207 = arith.constant 64 : i32
      %scan3A_208 = arith.addi %scan3A_206, %scan3A_207 : i32
      %scan3A_209 = arith.constant 1 : i32
      %scan3A_210 = scf.for %scan3A_223 = %scan3A_206 to %scan3A_208 step %scan3A_209 iter_args(%scan3A_224 = %scan3A_205) -> (i32)  : i32 {
        %mul3A_225 = arith.constant 16 : i32
        %mul3A_226 = arith.muli %scan3A_223, %mul3A_225 : i32
        %get3A = arith.index_cast %mul3A_226 : i32 to index
        %get3A_227 = tpu.vector_load %arg9[%get3A] {strides = array<i32>} : memref<1024xi32, #tpu.memory_space<vmem>>, vector<16xi32>,
        %mul3A_228 = arith.constant 16 : i32
        %mul3A_229 = arith.muli %scan3A_223, %mul3A_228 : i32
        %get3A_230 = arith.index_cast %mul3A_229 : i32 to index
        %get3A_231 = tpu.vector_load %arg10[%get3A_230] {strides = array<i32>} : memref<1024xi32, #tpu.memory_space<vmem>>, vector<16xi32>,
        %mul3A_232 = arith.constant 8 : i32
        %mul3A_233 = vector.broadcast %mul3A_232 : i32 to vector<16xi32>
        %mul3A_234 = arith.muli %get3A_227, %mul3A_233 : vector<16xi32>
        %add3A_235 = arith.addi %mul3A_204, %mul3A_234 : vector<16xi32>
        %add3A_236 = arith.addi %add3A_235, %get3A_231 : vector<16xi32>
        tpu.vector_store_idx %arg17[%add3A_236], %broadcast_in_dim3A_3 {add = true} : memref<256xi32, #tpu.memory_space<vmem>>[vector<16xi32>], vector<16xi32>,
        %scan3A_237 = arith.constant 0 : i32
        scf.yield %scan3A_237 : i32
      }
      %scan3A_211 = arith.constant 64 : i32
      %broadcast_in_dim3A_212 = arith.constant 0 : i32
      %broadcast_in_dim3A_213 = vector.broadcast %broadcast_in_dim3A_212 : i32 to vector<16xi32>
      %scan3A_214 = arith.constant 0 : i32
      %scan3A_215 = arith.constant 16 : i32
      %scan3A_216 = arith.addi %scan3A_214, %scan3A_215 : i32
      %scan3A_217 = arith.constant 1 : i32
      %scan3A_218 = scf.for %scan3A_223 = %scan3A_214 to %scan3A_216 step %scan3A_217 iter_args(%scan3A_224 = %broadcast_in_dim3A_213) -> (vector<16xi32>)  : i32 {
        %mul3A_225 = arith.constant 16 : i32
        %mul3A_226 = arith.muli %scan3A_223, %mul3A_225 : i32
        %get3A = arith.index_cast %mul3A_226 : i32 to index
        %get3A_227 = tpu.vector_load %arg17[%get3A] {strides = array<i32>} : memref<256xi32, #tpu.memory_space<vmem>>, vector<16xi32>,
        %add3A_228 = arith.addi %scan3A_224, %get3A_227 : vector<16xi32>
        scf.yield %add3A_228 : vector<16xi32>
      }
      %scan3A_219 = arith.constant 16 : i32
      %swap3A = arith.constant 0 : index
      %swap3A_220 = tpu.vector_load %arg18[%swap3A] {strides = array<i32>} : memref<16xi32, #tpu.memory_space<vmem>>, vector<16xi32>,
      tpu.vector_store %arg18[%swap3A], %scan3A_218 {strides = array<i32>} : memref<16xi32, #tpu.memory_space<vmem>>, vector<16xi32>,
      %mul3A_221 = arith.constant 16 : i32
      %mul3A_222 = arith.muli %arg1, %mul3A_221 : i32
      "tpu.region"() ({
        %run_scoped3A = tpu.sem_alloc : memref<!tpu.dma_semaphore, #tpu.memory_space<semaphore_mem>>
        %dma_start3A_223 = tpu.memref_slice %arg21[%mul3A_222] : memref<256xi32, #tpu.memory_space<vmem_shared>> -> memref<16xi32, #tpu.memory_space<vmem_shared>>
        %dma_start3A_224 = tpu.memref_slice %arg21[%mul3A_222] : memref<256xi32, #tpu.memory_space<vmem_shared>> -> memref<16xi32, #tpu.memory_space<vmem_shared>>
        tpu.enqueue_dma source(%arg18 : memref<16xi32, #tpu.memory_space<vmem>>) target(%dma_start3A_224 : memref<16xi32, #tpu.memory_space<vmem_shared>>) target_semaphore(%run_scoped3A : memref<!tpu.dma_semaphore, #tpu.memory_space<semaphore_mem>>)
        %dma_wait3A_225 = tpu.memref_slice %arg21[%mul3A_222] : memref<256xi32, #tpu.memory_space<vmem_shared>> -> memref<16xi32, #tpu.memory_space<vmem_shared>>
        %dma_wait3A_226 = tpu.memref_slice %arg21[%mul3A_222] : memref<256xi32, #tpu.memory_space<vmem_shared>> -> memref<16xi32, #tpu.memory_space<vmem_shared>>
        tpu.wait_dma2 semaphore(%run_scoped3A : memref<!tpu.dma_semaphore, #tpu.memory_space<semaphore_mem>>) src(%arg18 : memref<16xi32, #tpu.memory_space<vmem>>) dst(%dma_wait3A_226 : memref<16xi32, #tpu.memory_space<vmem_shared>>)
        tpu.yield
      }) : () -> ()
    } else {
    }
    %barrier3A_143 = arith.constant 0 : index
    tpu.barrier barrier_id(%barrier3A_143)
    %eq3A_144 = arith.constant 0 : i32
    %eq3A_145 = arith.cmpi eq, %arg0, %eq3A_144 : i32
    %eq3A_146 = arith.constant 0 : i32
    %eq3A_147 = arith.cmpi eq, %arg1, %eq3A_146 : i32
    %and3A = arith.andi %eq3A_145, %eq3A_147 : i1
    %convert_element_type3A_148 = arith.extui %and3A : i1 to i32
    %cond3A_149 = arith.constant 0 : i32
    %cond3A_150 = arith.cmpi ne, %convert_element_type3A_148, %cond3A_149 : i32
    scf.if %cond3A_150 {
      "tpu.region"() ({
        %run_scoped3A = tpu.sem_alloc : memref<!tpu.dma_semaphore, #tpu.memory_space<semaphore_mem>>
        tpu.enqueue_dma source(%arg21 : memref<256xi32, #tpu.memory_space<vmem_shared>>) target(%arg19 : memref<256xi32, #tpu.memory_space<vmem>>) target_semaphore(%run_scoped3A : memref<!tpu.dma_semaphore, #tpu.memory_space<semaphore_mem>>)
        tpu.wait_dma2 semaphore(%run_scoped3A : memref<!tpu.dma_semaphore, #tpu.memory_space<semaphore_mem>>) src(%arg21 : memref<256xi32, #tpu.memory_space<vmem_shared>>) dst(%arg19 : memref<256xi32, #tpu.memory_space<vmem>>)
        tpu.yield
      }) : () -> ()
      %broadcast_in_dim3A_193 = arith.constant 0 : i32
      %broadcast_in_dim3A_194 = vector.broadcast %broadcast_in_dim3A_193 : i32 to vector<16xi32>
      %scan3A_195 = arith.constant 0 : i32
      %scan3A_196 = arith.constant 16 : i32
      %scan3A_197 = arith.addi %scan3A_195, %scan3A_196 : i32
      %scan3A_198 = arith.constant 1 : i32
      %scan3A_199 = scf.for %scan3A_202 = %scan3A_195 to %scan3A_197 step %scan3A_198 iter_args(%scan3A_203 = %broadcast_in_dim3A_194) -> (vector<16xi32>)  : i32 {
        %mul3A_204 = arith.constant 16 : i32
        %mul3A_205 = arith.muli %scan3A_202, %mul3A_204 : i32
        %get3A = arith.index_cast %mul3A_205 : i32 to index
        %get3A_206 = tpu.vector_load %arg19[%get3A] {strides = array<i32>} : memref<256xi32, #tpu.memory_space<vmem>>, vector<16xi32>,
        %add3A_207 = arith.addi %scan3A_203, %get3A_206 : vector<16xi32>
        scf.yield %add3A_207 : vector<16xi32>
      }
      %scan3A_200 = arith.constant 16 : i32
      %swap3A = arith.constant 0 : index
      %swap3A_201 = tpu.vector_load %arg20[%swap3A] {strides = array<i32>} : memref<16xi32, #tpu.memory_space<vmem>>, vector<16xi32>,
      tpu.vector_store %arg20[%swap3A], %scan3A_199 {strides = array<i32>} : memref<16xi32, #tpu.memory_space<vmem>>, vector<16xi32>,
      "tpu.region"() ({
        %run_scoped3A = tpu.sem_alloc : memref<!tpu.dma_semaphore, #tpu.memory_space<semaphore_mem>>
        tpu.enqueue_dma source(%arg20 : memref<16xi32, #tpu.memory_space<vmem>>) target(%arg8 : memref<16xi32, #tpu.memory_space<hbm>>) target_semaphore(%run_scoped3A : memref<!tpu.dma_semaphore, #tpu.memory_space<semaphore_mem>>)
        tpu.wait_dma2 semaphore(%run_scoped3A : memref<!tpu.dma_semaphore, #tpu.memory_space<semaphore_mem>>) src(%arg20 : memref<16xi32, #tpu.memory_space<vmem>>) dst(%arg8 : memref<16xi32, #tpu.memory_space<hbm>>)
        tpu.yield
      }) : () -> ()
    } else {
    }
    %dma_wait3A_151 = arith.constant 0 : i32
    %dma_wait3A_152 = arith.constant 0 : i32
    %dma_wait3A_153 = tpu.memref_slice %arg13[%dma_wait3A_151, %dma_wait3A_152] : memref<512x128xf32, #tpu.memory_space<vmem>> -> memref<128x128xf32, #tpu.memory_space<vmem>>
    %dma_wait3A_154 = arith.constant 0 : i32
    %dma_wait3A_155 = tpu.memref_slice %arg6[%add3A_67, %dma_wait3A_154] : memref<16384x128xf32, #tpu.memory_space<hbm>> -> memref<128x128xf32, #tpu.memory_space<hbm>>
    %dma_wait3A_156 = arith.constant 0 : i32
    %dma_wait3A_157 = tpu.memref_slice %arg6[%add3A_67, %dma_wait3A_156] : memref<16384x128xf32, #tpu.memory_space<hbm>> -> memref<128x128xf32, #tpu.memory_space<hbm>>
    %dma_wait3A_158 = arith.constant 0 : i32
    %dma_wait3A_159 = arith.constant 0 : i32
    %dma_wait3A_160 = tpu.memref_slice %arg13[%dma_wait3A_158, %dma_wait3A_159] : memref<512x128xf32, #tpu.memory_space<vmem>> -> memref<128x128xf32, #tpu.memory_space<vmem>>
    tpu.wait_dma2 semaphore(%arg24 : memref<!tpu.dma_semaphore, #tpu.memory_space<semaphore_mem>>) src(%dma_wait3A_160 : memref<128x128xf32, #tpu.memory_space<vmem>>) dst(%dma_wait3A_157 : memref<128x128xf32, #tpu.memory_space<hbm>>)
    %dma_wait3A_161 = arith.constant 128 : i32
    %dma_wait3A_162 = arith.constant 0 : i32
    %dma_wait3A_163 = tpu.memref_slice %arg13[%dma_wait3A_161, %dma_wait3A_162] : memref<512x128xf32, #tpu.memory_space<vmem>> -> memref<128x128xf32, #tpu.memory_space<vmem>>
    %dma_wait3A_164 = arith.constant 0 : i32
    %dma_wait3A_165 = tpu.memref_slice %arg6[%add3A_87, %dma_wait3A_164] : memref<16384x128xf32, #tpu.memory_space<hbm>> -> memref<128x128xf32, #tpu.memory_space<hbm>>
    %dma_wait3A_166 = arith.constant 0 : i32
    %dma_wait3A_167 = tpu.memref_slice %arg6[%add3A_87, %dma_wait3A_166] : memref<16384x128xf32, #tpu.memory_space<hbm>> -> memref<128x128xf32, #tpu.memory_space<hbm>>
    %dma_wait3A_168 = arith.constant 128 : i32
    %dma_wait3A_169 = arith.constant 0 : i32
    %dma_wait3A_170 = tpu.memref_slice %arg13[%dma_wait3A_168, %dma_wait3A_169] : memref<512x128xf32, #tpu.memory_space<vmem>> -> memref<128x128xf32, #tpu.memory_space<vmem>>
    tpu.wait_dma2 semaphore(%arg24 : memref<!tpu.dma_semaphore, #tpu.memory_space<semaphore_mem>>) src(%dma_wait3A_170 : memref<128x128xf32, #tpu.memory_space<vmem>>) dst(%dma_wait3A_167 : memref<128x128xf32, #tpu.memory_space<hbm>>)
    %dma_wait3A_171 = arith.constant 256 : i32
    %dma_wait3A_172 = arith.constant 0 : i32
    %dma_wait3A_173 = tpu.memref_slice %arg13[%dma_wait3A_171, %dma_wait3A_172] : memref<512x128xf32, #tpu.memory_space<vmem>> -> memref<128x128xf32, #tpu.memory_space<vmem>>
    %dma_wait3A_174 = arith.constant 0 : i32
    %dma_wait3A_175 = tpu.memref_slice %arg6[%add3A_107, %dma_wait3A_174] : memref<16384x128xf32, #tpu.memory_space<hbm>> -> memref<128x128xf32, #tpu.memory_space<hbm>>
    %dma_wait3A_176 = arith.constant 0 : i32
    %dma_wait3A_177 = tpu.memref_slice %arg6[%add3A_107, %dma_wait3A_176] : memref<16384x128xf32, #tpu.memory_space<hbm>> -> memref<128x128xf32, #tpu.memory_space<hbm>>
    %dma_wait3A_178 = arith.constant 256 : i32
    %dma_wait3A_179 = arith.constant 0 : i32
    %dma_wait3A_180 = tpu.memref_slice %arg13[%dma_wait3A_178, %dma_wait3A_179] : memref<512x128xf32, #tpu.memory_space<vmem>> -> memref<128x128xf32, #tpu.memory_space<vmem>>
    tpu.wait_dma2 semaphore(%arg24 : memref<!tpu.dma_semaphore, #tpu.memory_space<semaphore_mem>>) src(%dma_wait3A_180 : memref<128x128xf32, #tpu.memory_space<vmem>>) dst(%dma_wait3A_177 : memref<128x128xf32, #tpu.memory_space<hbm>>)
    %dma_wait3A_181 = arith.constant 384 : i32
    %dma_wait3A_182 = arith.constant 0 : i32
    %dma_wait3A_183 = tpu.memref_slice %arg13[%dma_wait3A_181, %dma_wait3A_182] : memref<512x128xf32, #tpu.memory_space<vmem>> -> memref<128x128xf32, #tpu.memory_space<vmem>>
    %dma_wait3A_184 = arith.constant 0 : i32
    %dma_wait3A_185 = tpu.memref_slice %arg6[%add3A_127, %dma_wait3A_184] : memref<16384x128xf32, #tpu.memory_space<hbm>> -> memref<128x128xf32, #tpu.memory_space<hbm>>
    %dma_wait3A_186 = arith.constant 0 : i32
    %dma_wait3A_187 = tpu.memref_slice %arg6[%add3A_127, %dma_wait3A_186] : memref<16384x128xf32, #tpu.memory_space<hbm>> -> memref<128x128xf32, #tpu.memory_space<hbm>>
    %dma_wait3A_188 = arith.constant 384 : i32
    %dma_wait3A_189 = arith.constant 0 : i32
    %dma_wait3A_190 = tpu.memref_slice %arg13[%dma_wait3A_188, %dma_wait3A_189] : memref<512x128xf32, #tpu.memory_space<vmem>> -> memref<128x128xf32, #tpu.memory_space<vmem>>
    tpu.wait_dma2 semaphore(%arg24 : memref<!tpu.dma_semaphore, #tpu.memory_space<semaphore_mem>>) src(%dma_wait3A_190 : memref<128x128xf32, #tpu.memory_space<vmem>>) dst(%dma_wait3A_187 : memref<128x128xf32, #tpu.memory_space<hbm>>)
    %dma_wait3A_191 = tpu.memref_slice %arg7[%mul3A_2] : memref<16384xi32, #tpu.memory_space<hbm>> -> memref<512xi32, #tpu.memory_space<hbm>>
    %dma_wait3A_192 = tpu.memref_slice %arg7[%mul3A_2] : memref<16384xi32, #tpu.memory_space<hbm>> -> memref<512xi32, #tpu.memory_space<hbm>>
    tpu.wait_dma2 semaphore(%arg24 : memref<!tpu.dma_semaphore, #tpu.memory_space<semaphore_mem>>) src(%arg11 : memref<512xi32, #tpu.memory_space<vmem>>) dst(%dma_wait3A_192 : memref<512xi32, #tpu.memory_space<hbm>>)
    return
  }
}

</mosaic_0001>

<sc_bundles>
// kernel: _run.3.cloned.1.call-start
scs
__scs_entry_jumppad:
0x0: {  	(pc) =	sbr.rel $0x88, $3  }
0x1: {  	(tag) =	ssettag $0x0;
	lr =	simm.s32 $0x1  }
0x2: {  	[smem:$0x3F9D] =	sst lr;
	_ =	strace $0xD0000000  }
0x3: {  	_ = 	snop  }
0x4: {  	_ = 	snop  }
0x5: {  	_ = 	snop  }
0x6: {  	_ = 	snop  }
0x7: {  	_ = 	snop  }
__scs_overlays_trampoline_lowered:
0x8: {  	[smem:$0x3FAC] =	sst s0  }
0x9: {  	[smem:$0x3FAD] =	sst s1  }
0xa: {  	[smem:$0x3FAE] =	sst s2  }
0xb: {  	[smem:$0x3FAF] =	sst s3  }
0xc: {  	[smem:$0x3FB0] =	sst s4  }
0xd: {  	[smem:$0x3FB1] =	sst s5  }
0xe: {  	[smem:$0x3FB2] =	sst s6  }
0xf: {  	[smem:$0x3FB3] =	sst s7  }
0x10: {  	[smem:$0x3FB4] =	sst s8  }
0x11: {  	[smem:$0x3FB5] =	sst s9;
	s0 =	simm.s32 @!p0 $0x0  }
0x12: {  	s1 =	sld [smem:$0x3F9B];
	s0 =	simm.s32 @p0 $0x1  }
0x13: {  	[smem:$0x3FB6] =	sst s0;
	s0 =	simm.s32 @!p1 $0x0  }
0x14: {  	s2 =	sld [smem:$0x3F9A];
	s0 =	simm.s32 @p1 $0x1  }
0x15: {  	[smem:$0x3FB7] =	sst s0;
	s0 =	simm.s32 @!p2 $0x0  }
0x16: {  	s3 =	sld [smem:$0x3FDB];
	s0 =	simm.s32 @p2 $0x1  }
0x17: {  	s4 =	simm.s32 $0x1BF5;
	[smem:$0x3FB9] =	sst s0  }
0x18: {  	s0 =	sld [smem:$0x3F9C];
	_ =	swait.ge [sflag:s4], $0x0  }
0x19: {  	s7 =	sld [smem:$0x3F9D]  }
0x1a: {  	s8 =	sadd.s32 $0xFFFFE003, lr  }
0x1b: {  	s9 =	sadd.s32 $0xFFFFFEF7, lr;
	s5 =	simm.s32 $0xFFFFFFFF;
	p2 =	slt.u32 s8, $0xFFFFF086  }
0x1c: {  	p1 =	slt.u32 s9, $0xF7A;
	s5 =	simm.s32 @!p2 $0x0  }
0x1d: {  	s5 =	simm.s32 @p1 $0x1;
	p0 =	seq.s32 s7, s2  }
0x1e: {  	s7 =	smul.u32 @!p0 $0xF7A, s2;
	p2 =	seq.s32 @!p0 s5, $0x0  }
0x1f: {  	s9 =	smul.u32 $0xF7A, s1;
	s8 =	simm.s32 @!p0 $0x1BF5;
	p2 =	por !p2, p0  }
0x20: {  	[sflag:s8] =	ssyncset.s32 @!p0 $0xFFFFF086;
	s6 =	sadd.s32 @!p0 s3, s7;
	s7 =	simm.s32 @!p0 $0x108  }
0x21: {  	s3 =	sadd.s32 s3, s9;
	s6 =	sadd.s32 @!p0 $0x88, s6;
	s7 =	simm.s32 @p2 $0x1082  }
0x22: {  	[simem:s7], [sflag:s8] =	dma.local @!p0 [hbm:s6], $0xF7A  }
0x23: {  	s9 =	sor.u32 $0xD0000000, s2;
	s6 =	simm.s32 $0x108;
	_ =	swait.ge @!p0 [sflag:s8], $0x0  }
0x24: {  	s3 =	sadd.s32 $0x88, s3;
	s6 =	simm.s32 @!p1 $0x1082;
	[sflag:s4] =	ssyncset.s32 $0xFFFFF086  }
0x25: {  	[simem:s6], [sflag:s4] =	dma.local [hbm:s3], $0xF7A  }
0x26: {  	[smem:$0x3F9D] =	sst s1;
	(tag) =	ssettag s2;
	_ =	strace s9  }
0x27: {  	s1 =	sld [smem:$0x3FAD]  }
0x28: {  	s2 =	sld [smem:$0x3FAE]  }
0x29: {  	s4 =	sld [smem:$0x3FB0]  }
0x2a: {  	p0 =	seq.s32 s5, $0x0;
	s5 =	sld [smem:$0x3FB1]  }
0x2b: {  	s6 =	sld [smem:$0x3FB2]  }
0x2c: {  	s7 =	sld [smem:$0x3FB3]  }
0x2d: {  	s3 =	simm.s32 $0x108;
	s8 =	sld [smem:$0x3FB4]  }
0x2e: {  	s3 =	simm.s32 @!p0 $0x1082;
	s9 =	sld [smem:$0x3FB5]  }
0x2f: {  	lr =	sadd.s32 s0, s3;
	s0 =	sld [smem:$0x3FAC]  }
0x30: {  	s3 =	sld [smem:$0x3FAF]  }
0x31: {  	[smem:$0x3FB8] =	sst s10  }
0x32: {  	s10 =	sld [smem:$0x3FB6];
	_ =	sdelay $0x3  }
0x33: {  	p0 =	seq.s32 s10, $0x1;
	s10 =	sld [smem:$0x3FB8];
	_ =	sdelay $0x3  }
0x34: {  	[smem:$0x3FB8] =	sst s10  }
0x35: {  	s10 =	sld [smem:$0x3FB7];
	_ =	sdelay $0x3  }
0x36: {  	p1 =	seq.s32 s10, $0x1;
	s10 =	sld [smem:$0x3FB8];
	_ =	sdelay $0x3  }
0x37: {  	[smem:$0x3FB8] =	sst s10  }
0x38: {  	s10 =	sld [smem:$0x3FB9]  }
0x39: {  	_ = 	snop;
	(pc) =	sbr.ind lr, $3  }
0x3a: {  	_ = 	snop  }
0x3b: {  	_ = 	snop  }
0x3c: {  	p2 =	seq.s32 s10, $0x1;
	s10 =	sld [smem:$0x3FB8]  }
0x3d: {  	_ =	shalt  }
0x3e: {  	_ =	shalt  }
0x3f: {  	_ =	shalt  }
0x40: {  	_ =	shalt  }
0x41: {  	_ =	shalt  }
0x42: {  	_ =	shalt  }
0x43: {  	_ =	shalt  }
0x44: {  	_ =	shalt  }
0x45: {  	_ =	shalt  }
0x46: {  	_ =	shalt  }
0x47: {  	_ =	shalt  }
0x48: {  	_ =	shalt  }
0x49: {  	_ =	shalt  }
0x4a: {  	_ =	shalt  }
0x4b: {  	_ =	shalt  }
0x4c: {  	_ =	shalt  }
0x4d: {  	_ =	shalt  }
0x4e: {  	_ =	shalt  }
0x4f: {  	_ =	shalt  }
0x50: {  	_ =	shalt  }
0x51: {  	_ =	shalt  }
0x52: {  	_ =	shalt  }
0x53: {  	_ =	shalt  }
0x54: {  	_ =	shalt  }
0x55: {  	_ =	shalt  }
0x56: {  	_ =	shalt  }
0x57: {  	_ =	shalt  }
0x58: {  	_ =	shalt  }
0x59: {  	_ =	shalt  }
0x5a: {  	_ =	shalt  }
0x5b: {  	_ =	shalt  }
0x5c: {  	_ =	shalt  }
0x5d: {  	_ =	shalt  }
0x5e: {  	_ =	shalt  }
0x5f: {  	_ =	shalt  }
0x60: {  	_ =	shalt  }
0x61: {  	_ =	shalt  }
0x62: {  	_ =	shalt  }
0x63: {  	_ =	shalt  }
0x64: {  	_ =	shalt  }
0x65: {  	_ =	shalt  }
0x66: {  	_ =	shalt  }
0x67: {  	_ =	shalt  }
0x68: {  	_ =	shalt  }
0x69: {  	_ =	shalt  }
0x6a: {  	_ =	shalt  }
0x6b: {  	_ =	shalt  }
0x6c: {  	_ =	shalt  }
0x6d: {  	_ =	shalt  }
0x6e: {  	_ =	shalt  }
0x6f: {  	_ =	shalt  }
0x70: {  	_ =	shalt  }
0x71: {  	_ =	shalt  }
0x72: {  	_ =	shalt  }
0x73: {  	_ =	shalt  }
0x74: {  	_ =	shalt  }
0x75: {  	_ =	shalt  }
0x76: {  	_ =	shalt  }
0x77: {  	_ =	shalt  }
0x78: {  	_ =	shalt  }
0x79: {  	_ =	shalt  }
0x7a: {  	_ =	shalt  }
0x7b: {  	_ =	shalt  }
0x7c: {  	_ =	shalt  }
0x7d: {  	_ =	shalt  }
0x7e: {  	_ =	shalt  }
0x7f: {  	_ =	shalt  }
0x80: {  	_ =	shalt  }
0x81: {  	_ =	shalt  }
0x82: {  	_ =	shalt  }
0x83: {  	_ =	shalt  }
0x84: {  	_ =	shalt  }
0x85: {  	_ =	shalt  }
0x86: {  	_ =	shalt  }
0x87: {  	_ =	shalt  }
.Lfunc_end0:
.L_simem_size_0:
called_computation_lowered:
.L_overlay_start_0:
0x88: {  	s2 =	sld [smem:$0x3FD9]  }
0x89: {  	s3 =	sld [smem:$0x3FFE];
	_ =	sdelay $0x1  }
0x8a: {  	s1 =	srdreg.scid  }
0x8b: {  	s0 =	sand.u32 $0x1, s1  }
0x8c: {  	s15 =	sshll.u32 s0, $0xA;
	s2 =	sadd.s32 s3, s2  }
0x8d: {  	s2 =	sadd.s32 s2, s15  }
0x8e: {  	[smem:$0x3FC4] =	sst s2  }
0x8f: {  	_ = 	snop  }
0x90: {  	s2 =	sld [smem:$0x3FC9]  }
0x91: {  	s16 =	sld [smem:$0x3FD0]  }
0x92: {  	s4 =	sld [smem:$0x3FC8]  }
0x93: {  	s5 =	sld [smem:$0x3FC7]  }
0x94: {  	s7 =	simm.s32 $0xA;
	s8 =	simm.s32 $0x10;
	s6 =	sld [smem:$0x3FC6]  }
0x95: {  	[smem:s8], [sflag:s7] =	dma.local [hbm:s16], $0x1  }
0x96: {  	_ =	swait.eq [sflag:s7], $0x1  }
0x97: {  	s17 =	sld [smem:$0x10];
	[sflag:s7] =	ssyncset.done $0x0  }
0x98: {  	s18 =	sld [smem:$0x11];
	[sflag:s7] =	ssyncadd.s32 $0xFFFFFFFF  }
0x99: {  	s19 =	sld [smem:$0x12];
	(tm) =	ssettm $0x1  }
0x9a: {  	s9 =	sld [smem:$0x3FFB];
	_ =	sdelay $0x3  }
0x9b: {  	_ =	strace s9  }
0x9c: {  	s9 =	sld [smem:$0x3FFC];
	_ =	sdelay $0x3  }
0x9d: {  	_ =	strace s9  }
0x9e: {  	s9 =	sld [smem:$0x3FFD];
	_ =	sdelay $0x3  }
0x9f: {  	_ =	strace s9  }
0xa0: {  	_ =	strace $0x8FFFFFFF  }
0xa1: {  	s20 =	sld [smem:$0x3FDB];
	_ =	sdelay $0x1  }
0xa2: {  	s10 =	simm.s32 $_scs_section_size  }
0xa3: {  	s11 =	simm.s32 $_size__tile_overlayer_lowered;
	s12 =	simm.s32 $_tile_overlayer_lowered  }
0xa4: {  	s23 =	simm.s32 $0x1BFF;
	s22 =	sshll.u32 s12, $0x1;
	s9 =	sadd.s32 s10, s20  }
0xa5: {  	s13 =	simm.s32 $0x0;
	s21 =	sshll.u32 s11, $0x1;
	s11 =	sadd.s32 s22, s9  }
0xa6: {  	[timem:s13], [sflag:s23] =	dma.local [hbm:s11], s21  }
0xa7: {  	_ =	swait.ge [sflag:s23], s21  }
0xa8: {  	s10 =	ssub.s32 $0x0, s21;
	[sflag:s23] =	ssyncset.done $0x0  }
0xa9: {  	[sflag:s23] =	ssyncadd.s32 s10;
	_ =	sdelay $0x1  }
0xaa: {  	s24 =	simm.s32 $0x1B8B  }
0xab: {  	_ =	swait.ge [sflag:s24], $0x1  }
0xac: {  	[sflag:s24] =	ssyncset.done $0x0  }
0xad: {  	s25 =	simm.s32 $0x1B8E;
	[sflag:s24] =	ssyncadd.s32 $0xFFFFFFFF  }
0xae: {  	s26 =	simm.s32 $execute0_lowered;
	[smem:$0x3FD2] =	sst s25  }
0xaf: {  	s10 =	sshll.u32 s26, $0x1;
	_ =	strace $0x80000046;
	[dreg:$0x1] =	wrdreg $0xFFFFFFFF  }
0xb0: {  	s28 =	simm.s32 $_size_execute0_lowered;
	s9 =	sadd.s32 s9, s10;
	[dreg:$0x0] =	wrdreg $0x0  }
0xb1: {  	s10 =	sshll.u32 s28, $0x1;
	[dreg:$0x2] =	wrdreg s9  }
0xb2: {  	[dreg:$0x3] =	wrdreg s10  }
0xb3: {  	[dreg:$0x4] =	wrdreg $0xC0  }
0xb4: {  	_ =	task [dreg:s13], $0x5FFFF  }
0xb5: {  	[dreg:$0x1] =	wrdreg $0xFFFFFFFF  }
0xb6: {  	[dreg:$0x0] =	wrdreg $0x60  }
0xb7: {  	[dreg:$0x2] =	wrdreg s2  }
0xb8: {  	[dreg:$0x3] =	wrdreg s4  }
0xb9: {  	[dreg:$0x4] =	wrdreg s5  }
0xba: {  	[dreg:$0x5] =	wrdreg s6  }
0xbb: {  	[dreg:$0x6] =	wrdreg s17  }
0xbc: {  	[dreg:$0x7] =	wrdreg s18  }
0xbd: {  	[dreg:$0x8] =	wrdreg s19  }
0xbe: {  	[dreg:$0x9] =	wrdreg $0x11C100  }
0xbf: {  	[dreg:$0xa] =	wrdreg $0x11C000  }
0xc0: {  	[dreg:$0xb] =	wrdreg $0x9  }
0xc1: {  	_ =	task.clear_ibuf [dreg:s13], $0xCFFFF;
	_ =	strace $0x90000046  }
0xc2: {  	s29 =	simm.s32 $0x9;
	_ =	strace $0x80000048  }
0xc3: {  	_ =	swait.ge [sflag:s29], $0x1  }
0xc4: {  	[sflag:s29] =	ssyncadd.s32 $0xFFFFFFFF  }
0xc5: {  	_ =	strace $0x90000048  }
0xc6: {  	_ =	sfence  }
0xc7: {  	s30 =	sld [smem:$0x0];
	_ =	sdelay $0x2  }
0xc8: {  	s31 =	sshll.u32 s1, $0xD;
	s1 =	sshrl.u32 s1, $0x2  }
0xc9: {  	s3 =	sand.u32 $0x4000, s31;
	s1 =	sadd.s32 s1, s30  }
0xca: {  	s0 =	sor.u32 s3, s0;
	s1 =	sshll.u32 s1, $0x11  }
0xcb: {  	s0 =	sor.u32 s1, s0  }
0xcc: {  	s0 =	sadd.s32 $0x8F2B, s0  }
0xcd: {  	[sflag:s0] =	ssyncadd.remote.s32 $0x1  }
0xce: {  	_ =	sfence.sel $0xFFFF  }
0xcf: {  	[dreg:$0x0] =	wrdreg $0xFFFFFFFF;
	(pc) =	sbr.abs _section_cstart, $3  }
0xd0: {  	[dreg:$0x1] =	wrdreg $0xFFFFFFFF  }
0xd1: {  	_ =	task.clear_ibuf [dreg:s13], $0x2FFFF;
	_ =	strace $0x9FFFFFFF  }
0xd2: {  	(tm) =	ssettm $0x7FFFFFFF  }
0xd3: {  	_ =	shalt  }
tec
execute0_lowered:
.L_overlay_start_1:
0x0: {  	(tag) =	ssettag $0x1  }
0x1: {  	s0 =	rddreg [dreg:$0x0]  }
0x2: {  	s1 =	rddreg [dreg:$0x1]  }
0x3: {  	s23 =	rddreg [dreg:$0x2]  }
0x4: {  	s25 =	rddreg [dreg:$0x3]  }
0x5: {  	s2 =	rddreg [dreg:$0x4]  }
0x6: {  	s3 =	rddreg [dreg:$0x5]  }
0x7: {  	s28 =	rddreg [dreg:$0x6]  }
0x8: {  	s4 =	rddreg [dreg:$0x7]  }
0x9: {  	s30 =	rddreg [dreg:$0x8]  }
0xa: {  	s5 =	srdreg.scid;
	s16 =	stileid.u32  }
0xb: {  	s6 =	simm.s32 $0x0;
	s26 =	simm.s32 $0x10C00;
	s22 =	simm.s32 $0x4  }
0xc: {  	s24 =	simm.s32 $0x80;
	s29 =	simm.s32 $0x4C00;
	s31 =	simm.s32 $0x8C00  }
0xd: {  	s5 =	sand.u32 $0x1, s5;
	s7 =	sshll.u32 s16, $0xA;
	[smem:$0x7FF] =	sst s6  }
0xe: {  	s12 =	sshll.u32 s16, $0x7;
	s20 =	sshll.u32 s16, $0x4;
	p0 =	sne.s32 s16, $0x0  }
0xf: {  	s8 =	sshll.u32 s5, $0x9;
	s9 =	ssub.s32 $0x2, s5;
	_ =	strace $0x80000047  }
0x10: {  	s21 =	sor.u32 s16, s5;
	p1 =	sne.s32 s5, $0x0;
	s5 =	simm.s32 $0x0  }
0x11: {  	s10 =	sor.u32 s8, s7;
	s18 =	sshrl.u32 s9, $0x1;
	p2 =	sne.s32 s21, $0x0  }
0x12: {  	s21 =	simm.s32 $0xCC00;
	s11 =	sshrl.u32 s10, $0x3;
	s17 =	ssub.s32 s9, s18  }
0x13: {  	s9 =	sadd.s32 s0, s12;
	s19 =	sshll.u32 s10, $0x4;
	s10 =	sadd.s32 s1, s12  }
.Ltmp0:
0x14: {  	s7 =	sadd.s32 s0, s11;
	s8 =	sadd.s32 s1, s11;
	(pc) =	sbr.rel .LBB2_1-.Ltmp0, $4  }
0x15: {  	s11 =	sadd.s32 s3, s11;
	s12 =	sadd.s32 s2, s19;
	s0 =	sadd.s32 s20, s30  }
0x16: {  	s17 =	smax.u32 s17, $0x1;
	s20 =	simm.s32 $0x3;
	s1 =	simm.s32 $0x11900  }
0x17: {  	v1 =	vlaneseq.u32;
	s3 =	simm.s32 $0x2;
	s2 =	sadd.s32 $0x800, s12;
	s13 =	sadd.s32 $0x1000, s12  }
0x18: {  	v0 =	vimm.s32 $0x0;
	v2 =	vimm.s32 $0x1;
	v1 =	vmul.u32 $0x10, v1;
	s14 =	sadd.s32 $0x1800, s12;
	[dreg:$0xa] =	wrdreg s0;
	s0 =	simm.s32 $0x1  }
.LBB2_10:
0x19: {  	v3 =	vld [tilespmem:s18+$0x0]  }
0x1a: {  	v4 =	vld [tilespmem:s18+$0x400];
	_ =	sdelay $0x3  }
0x1b: {  	v3 =	vshll.u32 v3, $0x3  }
0x1c: {  	v3 =	vadd.s32 v4, v3  }
0x1d: {  	v3 =	vadd.s32 v1, v3;
	_ =	sdelay $0x4  }
0x1e: {  	[tilespmem:v3+s1+$0x0] =	vst.idx.add.s32.msk $0xffff, v2  }
0x1f: {  	v3 =	vld [tilespmem:$0x11900]  }
0x20: {  	v53 =	vld [tilespmem:$0x11910]  }
0x21: {  	v5 =	vld [tilespmem:$0x11920]  }
0x22: {  	v6 =	vld [tilespmem:$0x11930]  }
0x23: {  	v7 =	vld [tilespmem:$0x11940]  }
0x24: {  	v8 =	vld [tilespmem:$0x11950]  }
0x25: {  	v54 =	vld [tilespmem:$0x11960];
	v3 =	vadd.s32 v3, v53  }
0x26: {  	v55 =	vld [tilespmem:$0x11970];
	v3 =	vadd.s32 v3, v5  }
0x27: {  	v56 =	vld [tilespmem:$0x11980];
	v3 =	vadd.s32 v3, v6  }
0x28: {  	v57 =	vld [tilespmem:$0x11990];
	v3 =	vadd.s32 v3, v7  }
0x29: {  	v58 =	vld [tilespmem:$0x119A0];
	v3 =	vadd.s32 v3, v8  }
0x2a: {  	v59 =	vld [tilespmem:$0x119B0];
	v3 =	vadd.s32 v3, v54  }
0x2b: {  	v60 =	vld [tilespmem:$0x119C0];
	v3 =	vadd.s32 v3, v55  }
0x2c: {  	v61 =	vld [tilespmem:$0x119D0];
	v3 =	vadd.s32 v3, v56  }
0x2d: {  	v62 =	vld [tilespmem:$0x119E0];
	v3 =	vadd.s32 v3, v57  }
0x2e: {  	v63 =	vld [tilespmem:$0x119F0];
	v3 =	vadd.s32 v3, v58  }
0x2f: {  	v3 =	vadd.s32 v3, v59  }
0x30: {  	v3 =	vadd.s32 v3, v60  }
0x31: {  	v3 =	vadd.s32 v3, v61  }
0x32: {  	v3 =	vadd.s32 v3, v62  }
0x33: {  	v3 =	vadd.s32 v3, v63  }
0x34: {  	s15 =	rddreg [dreg:$0xa];
	s16 =	simm.s32 $0x11A00;
	[tilespmem:$0x11A00] =	vst v3  }
0x35: {  	[spmem:s15] =	stream.linear.scatter [tilespmem:s16], [sflag:$0x4], $0x10, $0x38;
	[tilespmem:$0x11C90] =	vst v63  }
0x36: {  	_ =	swait.ge [sflag:s22], $0x10  }
0x37: {  	[sflag:s22] =	ssyncset.done $0x0  }
0x38: {  	[sflag:s22] =	ssyncadd.s32 $0xFFFFFFF0  }
.LBB2_11:
0x39: {  	[bflag:$0x0] =	sbarrier.arrive $0xFFFF;
	s16 =	simm.s32 @!p2 $0x11A80  }
0x3a: {  	[tilespmem:s16], [sflag:$0x4] =	stream.linear.gather @!p2 [spmem:s30], $0x100, $0x38;
	[tilespmem:$0x11C90] =	vst v63  }
0x3b: {  	s16 =	simm.s32 @!p2 $0x4  }
0x3c: {  	_ =	swait.ge @!p2 [sflag:s16], $0x100  }
0x3d: {  	[sflag:s16] =	ssyncset.done @!p2 $0x0  }
0x3e: {  	[sflag:s16] =	ssyncadd.s32 @!p2 $0xFFFFFF00  }
0x3f: {  	v3 =	vld @!p2 [tilespmem:$0x11A80]  }
0x40: {  	v4 =	vld @!p2 [tilespmem:$0x11A90]  }
0x41: {  	v5 =	vld @!p2 [tilespmem:$0x11AA0]  }
0x42: {  	v6 =	vld @!p2 [tilespmem:$0x11AB0]  }
0x43: {  	v7 =	vld @!p2 [tilespmem:$0x11AC0]  }
0x44: {  	v8 =	vld @!p2 [tilespmem:$0x11AD0]  }
0x45: {  	v3 =	vadd.s32 @!p2 v3, v4;
	v4 =	vld @!p2 [tilespmem:$0x11AE0]  }
0x46: {  	v3 =	vadd.s32 @!p2 v3, v5;
	v5 =	vld @!p2 [tilespmem:$0x11AF0]  }
0x47: {  	v3 =	vadd.s32 @!p2 v3, v6;
	v6 =	vld @!p2 [tilespmem:$0x11B00]  }
0x48: {  	v3 =	vadd.s32 @!p2 v3, v7;
	v7 =	vld @!p2 [tilespmem:$0x11B10]  }
0x49: {  	v3 =	vadd.s32 @!p2 v3, v8;
	v8 =	vld @!p2 [tilespmem:$0x11B20]  }
0x4a: {  	v3 =	vadd.s32 @!p2 v3, v4;
	v4 =	vld @!p2 [tilespmem:$0x11B30]  }
0x4b: {  	v3 =	vadd.s32 @!p2 v3, v5;
	v5 =	vld @!p2 [tilespmem:$0x11B40]  }
0x4c: {  	v3 =	vadd.s32 @!p2 v3, v6;
	v6 =	vld @!p2 [tilespmem:$0x11B50]  }
0x4d: {  	v3 =	vadd.s32 @!p2 v3, v7;
	v7 =	vld @!p2 [tilespmem:$0x11B60]  }
0x4e: {  	v3 =	vadd.s32 @!p2 v3, v8;
	v8 =	vld @!p2 [tilespmem:$0x11B70]  }
0x4f: {  	v3 =	vadd.s32 @!p2 v3, v4  }
0x50: {  	v3 =	vadd.s32 @!p2 v3, v5  }
0x51: {  	v3 =	vadd.s32 @!p2 v3, v6  }
0x52: {  	v3 =	vadd.s32 @!p2 v3, v7  }
0x53: {  	v3 =	vadd.s32 @!p2 v3, v8  }
0x54: {  	s18 =	simm.s32 @!p2 $0x0;
	s19 =	simm.s32 @!p2 $0x11B80;
	[tilespmem:$0x11B80] =	vst @!p2 v3  }
0x55: {  	[hbm4b:s28+s18] =	stream.linear.scatter @!p2 [tilespmem:s19], [sflag:$0x4], $0x80, $0x38;
	[tilespmem:$0x11C90] =	vst v63  }
0x56: {  	_ =	swait.ge @!p2 [sflag:s16], $0x80  }
0x57: {  	[sflag:s16] =	ssyncset.done @!p2 $0x0  }
0x58: {  	[sflag:s16] =	ssyncadd.s32 @!p2 $0xFFFFFF80  }
0x59: {  	_ =	swait.ge [sflag:s3], $0x4000  }
0x5a: {  	[sflag:s3] =	ssyncset.done $0x0  }
0x5b: {  	[sflag:s3] =	ssyncadd.s32 $0xFFFFC000  }
0x5c: {  	_ =	swait.ge [sflag:s3], $0x4000  }
0x5d: {  	[sflag:s3] =	ssyncset.done $0x0  }
0x5e: {  	[sflag:s3] =	ssyncadd.s32 $0xFFFFC000  }
0x5f: {  	_ =	swait.ge [sflag:s3], $0x4000  }
0x60: {  	[sflag:s3] =	ssyncset.done $0x0  }
0x61: {  	s5 =	sadd.s32 $0x1, s5;
	[sflag:s3] =	ssyncadd.s32 $0xFFFFC000  }
0x62: {  	p3 =	sne.s32 s5, s17;
	_ =	swait.ge [sflag:s3], $0x4000  }
.Ltmp1:
0x63: {  	[sflag:s3] =	ssyncset.done $0x0;
	(pc) =	sbr.rel @!p3 .LBB2_12-.Ltmp1, $4  }
0x64: {  	[sflag:s3] =	ssyncadd.s32 $0xFFFFC000  }
0x65: {  	_ =	swait.ge [sflag:s3], $0x200  }
0x66: {  	[sflag:s3] =	ssyncset.done $0x0  }
0x67: {  	[sflag:s3] =	ssyncadd.s32 $0xFFFFFE00  }
.LBB2_1:
0x68: {  	[tilespmem:s26], [sflag:$0x3] =	stream.linear.gather [hbm4b:s23+s6], $0x100, $0x38;
	[tilespmem:$0x11C90] =	vst v63  }
0x69: {  	s15 =	simm.s32 $0x10D00  }
0x6a: {  	[tilespmem:s15], [sflag:$0x3] =	stream.linear.gather [hbm4b:s25+s6], $0x400, $0x38;
	[tilespmem:$0x11C90] =	vst v63  }
0x6b: {  	s16 =	simm.s32 @p1 $0x0  }
0x6c: {  	[tilespmem:s16], [sflag:$0x1] =	stream.linear.gather @p1 [hbm4b:s7+s16], $0x200, $0x38;
	[tilespmem:$0x11C90] =	vst v63  }
0x6d: {  	s18 =	simm.s32 @p1 $0x400  }
0x6e: {  	[tilespmem:s18], [sflag:$0x1] =	stream.linear.gather @p1 [hbm4b:s8+s16], $0x200, $0x38;
	[tilespmem:$0x11C90] =	vst v63  }
0x6f: {  	s16 =	simm.s32 @p1 $0x1  }
0x70: {  	_ =	swait.ge @p1 [sflag:s16], $0x200  }
0x71: {  	[sflag:s16] =	ssyncset.done @p1 $0x0  }
0x72: {  	[sflag:s16] =	ssyncadd.s32 @p1 $0xFFFFFE00  }
0x73: {  	_ =	swait.ge @p1 [sflag:s16], $0x200  }
0x74: {  	[sflag:s16] =	ssyncset.done @p1 $0x0  }
0x75: {  	[sflag:s16] =	ssyncadd.s32 @p1 $0xFFFFFE00;
	s16 =	simm.s32 @!p1 $0x0  }
0x76: {  	[tilespmem:s16], [sflag:$0x1] =	stream.linear.gather @!p1 [hbm4b:s9+s16], $0x400, $0x38;
	[tilespmem:$0x11C90] =	vst v63  }
0x77: {  	s18 =	simm.s32 @!p1 $0x400  }
0x78: {  	[tilespmem:s18], [sflag:$0x1] =	stream.linear.gather @!p1 [hbm4b:s10+s16], $0x400, $0x38;
	[tilespmem:$0x11C90] =	vst v63  }
0x79: {  	s16 =	simm.s32 @!p1 $0x1  }
0x7a: {  	_ =	swait.ge @!p1 [sflag:s16], $0x400  }
0x7b: {  	[sflag:s16] =	ssyncset.done @!p1 $0x0  }
0x7c: {  	[sflag:s16] =	ssyncadd.s32 @!p1 $0xFFFFFC00  }
0x7d: {  	_ =	swait.ge @!p1 [sflag:s16], $0x400  }
0x7e: {  	[sflag:s16] =	ssyncset.done @!p1 $0x0  }
0x7f: {  	[sflag:s16] =	ssyncadd.s32 @!p1 $0xFFFFFC00  }
0x80: {  	_ =	swait.ge [sflag:s20], $0x100  }
.Ltmp2:
0x81: {  	[sflag:s20] =	ssyncset.done $0x0;
	(pc) =	sbr.rel @p0 .LBB2_5-.Ltmp2, $4  }
0x82: {  	[sflag:s20] =	ssyncadd.s32 $0xFFFFFF00  }
0x83: {  	_ =	swait.ge [sflag:s20], $0x400  }
0x84: {  	[sflag:s20] =	ssyncset.done $0x0  }
0x85: {  	[sflag:s20] =	ssyncadd.s32 $0xFFFFFC00  }
0x86: {  	s16 =	sand.u32 $0x80, s6  }
0x87: {  	v3 =	vld [tilespmem:s16+$0x10C00];
	_ =	sdelay $0x3  }
0x88: {  	s18 =	simm.s32 $0x11140  }
0x89: {  	s19 =	sand.u32 $0x380, s6;
	[tilespmem:s18+$0xFFFFFFC0] =	vst v3  }
0x8a: {  	v3 =	vld [tilespmem:s19+$0x10D00];
	_ =	sdelay $0x4  }
0x8b: {  	[tilespmem:s18+$0x0] =	vst v3  }
0x8c: {  	v3 =	vld [tilespmem:s16+$0x10C10];
	_ =	sdelay $0x4  }
0x8d: {  	[tilespmem:s18+$0xFFFFFFD0] =	vst v3  }
0x8e: {  	v3 =	vld [tilespmem:s19+$0x10D10];
	_ =	sdelay $0x4  }
0x8f: {  	[tilespmem:s18+$0x10] =	vst v3  }
0x90: {  	v3 =	vld [tilespmem:s16+$0x10C20];
	_ =	sdelay $0x4  }
0x91: {  	[tilespmem:s18+$0xFFFFFFE0] =	vst v3  }
0x92: {  	v3 =	vld [tilespmem:s19+$0x10D20];
	_ =	sdelay $0x4  }
0x93: {  	[tilespmem:s18+$0x20] =	vst v3  }
0x94: {  	v3 =	vld [tilespmem:s16+$0x10C30];
	_ =	sdelay $0x4  }
0x95: {  	[tilespmem:s18+$0xFFFFFFF0] =	vst v3  }
0x96: {  	s26 =	smov.u32 s17;
	s17 =	smov.u32 s14;
	v3 =	vld [tilespmem:s19+$0x10D30]  }
0x97: {  	s15 =	smov.u32 s13;
	s14 =	smov.u32 s2;
	s13 =	smov.u32 s11  }
0x98: {  	s11 =	smov.u32 s10;
	s10 =	smov.u32 s9;
	s9 =	smov.u32 s8  }
0x99: {  	s8 =	smov.u32 s7;
	s7 =	smov.u32 s30;
	s2 =	smov.u32 s28  }
0x9a: {  	s30 =	smov.u32 s25;
	s28 =	smov.u32 s23;
	s25 =	simm.s32 $0x10  }
0x9b: {  	s23 =	simm.s32 $0x0;
	s16 =	simm.s32 $0x20;
	s19 =	sand.u32 $0x80, s25;
	[tilespmem:s18+$0x30] =	vst v3  }
.LBB2_3:
0x9c: {  	p3 =	sne.s32 s16, $0xF0;
	v3 =	vld [tilespmem:s19+$0x10C00];
	_ =	sdelay $0x3  }
0x9d: {  	s23 =	sadd.s32 $0x80, s23;
	s18 =	sadd.s32 $0x80, s18  }
0x9e: {  	s25 =	sand.u32 $0x380, s23;
	[tilespmem:s18+$0xFFFFFFC0] =	vst v3  }
0x9f: {  	v3 =	vld [tilespmem:s25+$0x10D00];
	_ =	sdelay $0x4  }
0xa0: {  	[tilespmem:s18+$0x0] =	vst v3  }
0xa1: {  	v3 =	vld [tilespmem:s19+$0x10C10];
	_ =	sdelay $0x4  }
0xa2: {  	[tilespmem:s18+$0xFFFFFFD0] =	vst v3  }
0xa3: {  	v3 =	vld [tilespmem:s25+$0x10D10];
	_ =	sdelay $0x4  }
0xa4: {  	[tilespmem:s18+$0x10] =	vst v3  }
0xa5: {  	v3 =	vld [tilespmem:s19+$0x10C20];
	_ =	sdelay $0x4  }
0xa6: {  	[tilespmem:s18+$0xFFFFFFE0] =	vst v3  }
0xa7: {  	v3 =	vld [tilespmem:s25+$0x10D20];
	_ =	sdelay $0x4  }
0xa8: {  	[tilespmem:s18+$0x20] =	vst v3  }
0xa9: {  	v3 =	vld [tilespmem:s19+$0x10C30];
	_ =	sdelay $0x4  }
0xaa: {  	[tilespmem:s18+$0xFFFFFFF0] =	vst v3  }
0xab: {  	v3 =	vld [tilespmem:s25+$0x10D30]  }
.Ltmp3:
0xac: {  	(pc) =	sbr.rel @p3 .LBB2_3-.Ltmp3, $2  }
0xad: {  	_ =	sdelay $0x2  }
0xae: {  	s19 =	sand.u32 $0x80, s16;
	s16 =	sadd.s32 $0x10, s16;
	[tilespmem:s18+$0x30] =	vst v3  }
0xaf: {  	v3 =	vld [tilespmem:s19+$0x10C00];
	_ =	sdelay $0x3  }
0xb0: {  	s16 =	sadd.s32 $0x80, s23;
	s18 =	sadd.s32 $0x80, s18  }
0xb1: {  	s16 =	sand.u32 $0x380, s16;
	[tilespmem:s18+$0xFFFFFFC0] =	vst v3  }
0xb2: {  	v3 =	vld [tilespmem:s16+$0x10D00];
	_ =	sdelay $0x4  }
0xb3: {  	[tilespmem:s18+$0x0] =	vst v3  }
0xb4: {  	v3 =	vld [tilespmem:s19+$0x10C10];
	_ =	sdelay $0x4  }
0xb5: {  	[tilespmem:s18+$0xFFFFFFD0] =	vst v3  }
0xb6: {  	v3 =	vld [tilespmem:s16+$0x10D10];
	_ =	sdelay $0x4  }
0xb7: {  	[tilespmem:s18+$0x10] =	vst v3  }
0xb8: {  	v3 =	vld [tilespmem:s19+$0x10C20];
	_ =	sdelay $0x4  }
0xb9: {  	[tilespmem:s18+$0xFFFFFFE0] =	vst v3  }
0xba: {  	v3 =	vld [tilespmem:s16+$0x10D20];
	_ =	sdelay $0x4  }
0xbb: {  	[tilespmem:s18+$0x20] =	vst v3  }
0xbc: {  	v3 =	vld [tilespmem:s19+$0x10C30];
	_ =	sdelay $0x4  }
0xbd: {  	[tilespmem:s18+$0xFFFFFFF0] =	vst v3  }
0xbe: {  	v3 =	vld [tilespmem:s16+$0x10D30];
	_ =	sdelay $0x3  }
0xbf: {  	s25 =	simm.s32 $0x11100;
	s23 =	smov.u32 s28;
	s28 =	smov.u32 s2  }
0xc0: {  	s2 =	smov.u32 s14;
	s14 =	smov.u32 s17;
	s17 =	smov.u32 s26;
	[tilespmem:s18+$0x30] =	vst v3  }
0xc1: {  	[spmem:s4] =	stream.linear.scatter [tilespmem:s25], [sflag:$0x4], $0x800, $0x38;
	[tilespmem:$0x11C90] =	vst v63  }
0xc2: {  	s26 =	simm.s32 $0x10C00;
	s25 =	smov.u32 s30;
	s30 =	smov.u32 s7  }
0xc3: {  	s7 =	smov.u32 s8;
	s8 =	smov.u32 s9;
	_ =	swait.ge [sflag:s22], $0x800  }
0xc4: {  	s9 =	smov.u32 s10;
	s10 =	smov.u32 s11;
	[sflag:s22] =	ssyncset.done $0x0  }
0xc5: {  	s11 =	smov.u32 s13;
	s13 =	smov.u32 s15;
	[sflag:s22] =	ssyncadd.s32 $0xFFFFF800  }
.LBB2_5:
0xc6: {  	s16 =	simm.s32 $0x0  }
0xc7: {  	v3 =	vld [tilespmem:s16+$0x0]  }
0xc8: {  	v4 =	vld [tilespmem:s16+$0x400]  }
0xc9: {  	s18 =	simm.s32 $0x40  }
.LBB2_6:
0xca: {  	p3 =	sne.s32 s18, $0x7C0  }
.Ltmp4:
0xcb: {  	_ = 	snop;
	(pc) =	sbr.rel @p3 .LBB2_6-.Ltmp4, $4  }
0xcc: {  	s19 =	sshra.s32 s18, $0x2;
	v5 =	vshll.u32 v3, $0x3  }
0xcd: {  	v3 =	vld [tilespmem:s19+$0x0];
	v5 =	vadd.s32 v4, v5  }
0xce: {  	v4 =	vld [tilespmem:s19+$0x400];
	[tilespmem:s16+$0xA00] =	vst v5  }
0xcf: {  	s18 =	sadd.s32 $0x40, s18;
	[tilespmem:s16+$0x800] =	vst v5;
	s16 =	smov.u32 s19  }
0xd0: {  	_ =	sdelay $0x1  }
0xd1: {  	v3 =	vshll.u32 v3, $0x3  }
0xd2: {  	v3 =	vadd.s32 v4, v3  }
0xd3: {  	[tilespmem:s16+$0xA00] =	vst v3  }
0xd4: {  	s15 =	simm.s32 $0x800;
	[tilespmem:s16+$0x800] =	vst v3  }
0xd5: {  	[hbm4b:s11+s6] =	stream.linear.scatter [tilespmem:s15], [sflag:$0x2], $0x200, $0x38;
	[tilespmem:$0x11C90] =	vst v63  }
0xd6: {  	s18 =	simm.s32 $0xA00;
	s16 =	simm.s32 $0xC00;
	[bflag:$0x0] =	sbarrier.arrive $0xFFFF  }
0xd7: {  	[tilespmem:s16], [sflag:$0x1] =	stream.indirect.gather [spmem:s4], $0x80, s18, s24, $0xb8;
	[tilespmem:$0x11C90] =	vst v63  }
0xd8: {  	s19 =	simm.s32 $0xA80  }
0xd9: {  	[tilespmem:s29], [sflag:$0x1] =	stream.indirect.gather [spmem:s4], $0x80, s19, s24, $0xb8;
	[tilespmem:$0x11C90] =	vst v63  }
0xda: {  	s18 =	simm.s32 $0xB00  }
0xdb: {  	[tilespmem:s31], [sflag:$0x1] =	stream.indirect.gather [spmem:s4], $0x80, s18, s24, $0xb8;
	[tilespmem:$0x11C90] =	vst v63  }
0xdc: {  	s19 =	simm.s32 $0xB80  }
0xdd: {  	[tilespmem:s21], [sflag:$0x1] =	stream.indirect.gather [spmem:s4], $0x80, s19, s24, $0xb8;
	[tilespmem:$0x11C90] =	vst v63  }
0xde: {  	_ =	swait.ge [sflag:s0], $0x4000  }
0xdf: {  	[sflag:s0] =	ssyncset.done $0x0  }
0xe0: {  	[sflag:s0] =	ssyncadd.s32 $0xFFFFC000  }
0xe1: {  	[hbm4b:s12+s6] =	stream.linear.scatter [tilespmem:s16], [sflag:$0x2], $0x4000, $0x38;
	[tilespmem:$0x11C90] =	vst v63  }
0xe2: {  	_ =	swait.ge [sflag:s0], $0x4000  }
0xe3: {  	[sflag:s0] =	ssyncset.done $0x0  }
0xe4: {  	[sflag:s0] =	ssyncadd.s32 $0xFFFFC000  }
0xe5: {  	[hbm4b:s2+s6] =	stream.linear.scatter [tilespmem:s29], [sflag:$0x2], $0x4000, $0x38;
	[tilespmem:$0x11C90] =	vst v63  }
0xe6: {  	_ =	swait.ge [sflag:s0], $0x4000  }
0xe7: {  	[sflag:s0] =	ssyncset.done $0x0  }
0xe8: {  	[sflag:s0] =	ssyncadd.s32 $0xFFFFC000  }
0xe9: {  	[hbm4b:s13+s6] =	stream.linear.scatter [tilespmem:s31], [sflag:$0x2], $0x4000, $0x38;
	[tilespmem:$0x11C90] =	vst v63  }
.Ltmp5:
0xea: {  	_ = 	snop;
	(pc) =	sbr.rel @p1 .LBB2_11-.Ltmp5, $4  }
0xeb: {  	_ =	swait.ge [sflag:s0], $0x4000  }
0xec: {  	[sflag:s0] =	ssyncset.done $0x0  }
0xed: {  	[sflag:s0] =	ssyncadd.s32 $0xFFFFC000  }
0xee: {  	[hbm4b:s14+s6] =	stream.linear.scatter [tilespmem:s21], [sflag:$0x2], $0x4000, $0x38;
	[tilespmem:$0x11C90] =	vst v63  }
0xef: {  	[tilespmem:$0x11900] =	vst v0  }
0xf0: {  	[tilespmem:$0x11910] =	vst v0  }
0xf1: {  	[tilespmem:$0x11920] =	vst v0  }
0xf2: {  	[tilespmem:$0x11930] =	vst v0  }
0xf3: {  	[tilespmem:$0x11940] =	vst v0  }
0xf4: {  	[tilespmem:$0x11950] =	vst v0  }
0xf5: {  	[tilespmem:$0x11960] =	vst v0  }
0xf6: {  	[tilespmem:$0x11970] =	vst v0  }
0xf7: {  	[tilespmem:$0x11980] =	vst v0  }
0xf8: {  	[tilespmem:$0x11990] =	vst v0  }
0xf9: {  	[tilespmem:$0x119A0] =	vst v0  }
0xfa: {  	[tilespmem:$0x119B0] =	vst v0  }
0xfb: {  	[tilespmem:$0x119C0] =	vst v0  }
0xfc: {  	[tilespmem:$0x119D0] =	vst v0  }
0xfd: {  	[tilespmem:$0x119E0] =	vst v0  }
0xfe: {  	[tilespmem:$0x119F0] =	vst v0;
	s18 =	simm.s32 $0x0;
	s16 =	simm.s32 $0x40  }
.LBB2_9:
0xff: {  	p3 =	sne.s32 s16, $0xFC0;
	v3 =	vld [tilespmem:s18+$0x0]  }
0x100: {  	v4 =	vld [tilespmem:s18+$0x400];
	_ =	sdelay $0x3  }
0x101: {  	v3 =	vshll.u32 v3, $0x3  }
0x102: {  	v3 =	vadd.s32 v4, v3  }
0x103: {  	v3 =	vadd.s32 v1, v3  }
.Ltmp6:
0x104: {  	(pc) =	sbr.rel @p3 .LBB2_9-.Ltmp6, $2  }
0x105: {  	_ =	sdelay $0x2  }
0x106: {  	s18 =	sshra.s32 s16, $0x2;
	s16 =	sadd.s32 $0x40, s16;
	[tilespmem:v3+s1+$0x0] =	vst.idx.add.s32.msk $0xffff, v2  }
.Ltmp7:
0x107: {  	_ = 	snop;
	(pc) =	sbr.rel .LBB2_10-.Ltmp7, $1  }
0x108: {  	_ =	sdelay $0x3  }
.LBB2_12:
0x109: {  	_ =	sfence.sel $0x180000  }
0x10a: {  	[bflag:$0x0] =	sbarrier.arrive $0xFFFF  }
0x10b: {  	_ =	strace $0x90000047  }
0x10c: {  	[bflag:$0x2] =	sbarrier.arrive $0xFFFF  }
0x10d: {  	s0 =	rddreg [dreg:$0x9]  }
0x10e: {  	s0 =	sadd.s32 @!p0 $0x100000, s0  }
0x10f: {  	[sflag:s0] =	ssyncadd.tile.s32 @!p0 $0x1;
	_ =	shalt  }
.Lfunc_end2:
_tile_overlayer_lowered:
.L_overlay_start_2:
0x110: {  	(tag) =	ssettag $0x2  }
0x111: {  	s0 =	rddreg [dreg:$0x0];
	s2 =	stileid.u32  }
0x112: {  	s1 =	rddreg [dreg:$0x1];
	p0 =	sne.s32 s2, $0x0  }
0x113: {  	s3 =	rddreg [dreg:$0x2];
	[bflag:$0x3] =	sbarrier.arrive $0xFFFF;
	s2 =	simm.s32 @!p0 $0x1C04  }
0x114: {  	[timem:s3], [sflag:s2] =	dma.local @!p0 [hbm:s0], s1  }
0x115: {  	s0 =	simm.s32 @!p0 $0x4  }
0x116: {  	_ =	swait.ge @!p0 [sflag:s0], s1  }
0x117: {  	s1 =	ssub.s32 @!p0 $0x0, s1;
	[sflag:s0] =	ssyncset.done @!p0 $0x0  }
0x118: {  	[sflag:s0] =	ssyncadd.s32 @!p0 s1  }
0x119: {  	[bflag:$0x3] =	sbarrier.arrive $0xFFFF  }
0x11a: {  	_ =	shalt  }

</sc_bundles>
